<compile_context>
chip_gen: v7x
topology: tpu7x:2x2x1
jax: 0.10.2.dev20260603
libtpu: 0.0.44.dev20260713+nightly
codegen_flags: <defaults>
</compile_context>

<pallas_src>
import functools

import jax
import jax.numpy as jnp
from jax import lax
from jax.experimental import pallas as pl
from jax.experimental.pallas import tpu as pltpu
from jax.experimental.pallas import tpu_sc as plsc

_H = 262144



def _tc_transform(table_t, w1h, nb=8192):
    D, V = table_t.shape
    grid = (_H // nb,)
    shift = _H // nb
    n_hi_max = V // nb

    def body(b0_ref, b1_ref, b2_ref, b3_ref, w_ref, out_ref):
        w = w_ref[...].astype(jnp.bfloat16)

        def gt(ref):
            g = lax.dot_general(ref[...].astype(jnp.bfloat16), w,
                                (((0,), (1,)), ((), ())),
                                preferred_element_type=jnp.float32)
            return g.astype(jnp.bfloat16)

        def pack(lo, hi):
            lo_u = lax.bitcast_convert_type(lo, jnp.uint16).astype(jnp.uint32)
            hi_u = lax.bitcast_convert_type(hi, jnp.uint16).astype(jnp.uint32)
            return lax.bitcast_convert_type((hi_u << 16) | lo_u, jnp.int32)

        p01 = pack(gt(b0_ref), gt(b1_ref))
        p23 = pack(gt(b2_ref), gt(b3_ref))
        out_ref[...] = jnp.concatenate([p01, p23], axis=1)

    return pl.pallas_call(
        body,
        grid=grid,
        in_specs=[
            pl.BlockSpec((D, nb), lambda i: (0, i)),
            pl.BlockSpec((D, nb), lambda i: (0, i + shift)),
            pl.BlockSpec((D, nb),
                         lambda i: (0, jnp.minimum(i + 2 * shift, n_hi_max))),
            pl.BlockSpec((D, nb),
                         lambda i: (0, jnp.minimum(i + 3 * shift, n_hi_max))),
            pl.BlockSpec((D, D), lambda i: (0, 0)),
        ],
        out_specs=pl.BlockSpec((nb, 2 * D), lambda i: (i, 0)),
        out_shape=jax.ShapeDtypeStruct((_H, 2 * D), jnp.int32),
        compiler_params=pltpu.CompilerParams(
            dimension_semantics=("parallel",),
        ),
    )(table_t, table_t, table_t, table_t, w1h)



def _sc_row_gather(g2, iidx):
    H, W = g2.shape
    BL = iidx.shape[0]

    info = plsc.get_sparse_core_info()
    nw = info.num_cores * info.num_subcores
    nc = info.num_cores
    ipw = BL // nw
    assert BL % nw == 0 and ipw % 16 == 0
    HALF = ipw // 2
    CH = 80
    n_ch = HALF // CH
    assert HALF % CH == 0

    mesh = plsc.VectorSubcoreMesh(core_axis_name="c", subcore_axis_name="s")

    @functools.partial(
        pl.kernel,
        mesh=mesh,
        out_type=jax.ShapeDtypeStruct((BL, W), jnp.int32),
        scratch_types=[
            pltpu.VMEM((ipw,), jnp.int32),
            pltpu.VMEM((HALF, W), jnp.int32),
            pltpu.SemaphoreType.DMA,
        ],
    )
    def gather_k(g_hbm, iidx_hbm, hist_out, iidx_v, rows_v, sem):
        wid = lax.axis_index("s") * nc + lax.axis_index("c")
        base = wid * ipw

        pltpu.sync_copy(iidx_hbm.at[pl.ds(base, ipw)], iidx_v)

        for h in range(2):
            def fire(c, carry):
                pltpu.make_async_copy(
                    g_hbm.at[iidx_v.at[pl.ds(h * HALF + c * CH, CH)]],
                    rows_v.at[pl.ds(c * CH, CH)],
                    sem,
                ).start()
                return carry

            lax.fori_loop(0, n_ch, fire, 0)

            def drain(c, carry):
                pltpu.make_async_copy(
                    g_hbm.at[iidx_v.at[pl.ds(0, CH)]],
                    rows_v.at[pl.ds(0, CH)],
                    sem,
                ).wait()
                return carry

            lax.fori_loop(0, n_ch, drain, 0)
            pltpu.sync_copy(rows_v, hist_out.at[pl.ds(base + h * HALF, HALF)])

    return gather_k(g2, iidx)



def _sc_user_gather(user_t, uidx):
    D, V = user_t.shape
    B = uidx.shape[0]

    info = plsc.get_sparse_core_info()
    nw = info.num_cores * info.num_subcores
    nc = info.num_cores
    CH = B // nw
    assert B % nw == 0

    mesh = plsc.VectorSubcoreMesh(core_axis_name="c", subcore_axis_name="s")

    @functools.partial(
        pl.kernel,
        mesh=mesh,
        out_type=jax.ShapeDtypeStruct((B * D,), jnp.float32),
        scratch_types=[
            pltpu.VMEM((CH,), jnp.int32),
            pltpu.VMEM((D, 128), jnp.float32),
            pltpu.VMEM((D, 128), jnp.float32),
            pltpu.VMEM((CH * D,), jnp.float32),
            pltpu.SemaphoreType.DMA,
            pltpu.SemaphoreType.DMA,
        ],
        compiler_params=pltpu.CompilerParams(needs_layout_passes=False),
    )
    def user_k(user_hbm, uidx_hbm, out_hbm, idx_v, blk0_v, blk1_v, stage_v,
               sem0, sem1):
        wid = lax.axis_index("s") * nc + lax.axis_index("c")

        pltpu.sync_copy(uidx_hbm.at[pl.ds(wid * CH, CH)], idx_v)
        lane = lax.iota(jnp.int32, 16)

        def extract_idx(j):
            vec = idx_v[pl.ds((j // 16) * 16, 16)]
            return jnp.max(jnp.where(lane == j % 16, vec, 0))

        def extract_col(blk, rl, j):
            for k in range(D // 16):
                rows = lax.iota(jnp.int32, 16) + (16 * k)
                cols = jnp.full((16,), rl, jnp.int32)
                vals = plsc.load_gather(blk, [rows, cols])
                pos = lax.iota(jnp.int32, 16) + (j * D + 16 * k)
                plsc.store_scatter(stage_v, [pos], vals)

        def pair(p, carry):
            j0 = p * 2
            j1 = j0 + 1
            r0 = extract_idx(j0)
            r1 = extract_idx(j1)
            off0 = pl.multiple_of((r0 // 128) * 128, 128)
            off1 = pl.multiple_of((r1 // 128) * 128, 128)
            cp0 = pltpu.make_async_copy(
                user_hbm.at[:, pl.ds(off0, 128)], blk0_v, sem0)
            cp1 = pltpu.make_async_copy(
                user_hbm.at[:, pl.ds(off1, 128)], blk1_v, sem1)
            cp0.start()
            cp1.start()
            cp0.wait()
            extract_col(blk0_v, r0 - off0, j0)
            cp1.wait()
            extract_col(blk1_v, r1 - off1, j1)
            return carry

        lax.fori_loop(0, CH // 2, pair, 0)
        pltpu.sync_copy(stage_v, out_hbm.at[pl.ds(wid * CH * D, CH * D)])

    return user_k(user_t, uidx).reshape(B, D)



def _dot_t(x, w):
    return lax.dot_general(x, w, (((1,), (1,)), ((), ())),
                           preferred_element_type=jnp.float32)


def _dot(x, w):
    return lax.dot_general(x, w, (((1,), (0,)), ((), ())),
                           preferred_element_type=jnp.float32)


def _tc_body(L, D,
             x1p_ref, half_ref, rat_ref, urep_ref, op_ref, w1_ref, b1_ref,
             w2_ref, b2_ref, wa1_ref, ba1_ref, wa2_ref, ba2_ref, wa3_ref,
             ba3_ref, out_ref):
    x1q = x1p_ref[...]
    R = x1q.shape[0]
    BB = R // L

    q = half_ref[...]
    v64 = jnp.where(q <= 1, x1q[:, :D], x1q[:, D:])
    u = jnp.where(q % 2 == 0, v64 << 16, v64)
    u = lax.bitwise_and(u, jnp.int32(-65536))
    x1p = lax.bitcast_convert_type(u, jnp.float32)

    w1 = w1_ref[...]
    r1 = _dot_t(op_ref[...], w1[:, D:])

    rat = rat_ref[...]
    onehot = (rat == lax.broadcasted_iota(jnp.int32, (1, 8), 1))
    r1p = jnp.concatenate(
        [r1, jnp.zeros((8 - r1.shape[0], D), jnp.float32)], axis=0)
    r_c = _dot(onehot.astype(jnp.float32), r1p)
    x1 = jnp.maximum(x1p + r_c + b1_ref[...], 0.0)

    o = jnp.maximum(_dot_t(x1, w2_ref[...]) + b2_ref[...], 0.0)

    wa1 = wa1_ref[...]
    u_c = _dot_t(urep_ref[...], wa1[:, D:])
    rows = lax.broadcasted_iota(jnp.int32, (R, BB), 0) // L
    cols = lax.broadcasted_iota(jnp.int32, (R, BB), 1)
    rep = (rows == cols).astype(jnp.float32)
    a1 = jnp.maximum(_dot_t(o, wa1[:, :D]) + _dot(rep, u_c) + ba1_ref[...], 0.0)
    a2 = jnp.maximum(_dot_t(a1, wa2_ref[...]) + ba2_ref[...], 0.0)
    s = jnp.sum(a2 * wa3_ref[...], axis=1, keepdims=True) + ba3_ref[...]

    e = jnp.exp(s - jnp.max(s))
    srows = lax.broadcasted_iota(jnp.int32, (BB, R), 0)
    scols = lax.broadcasted_iota(jnp.int32, (BB, R), 1) // L
    seg = (srows == scols).astype(jnp.float32)
    num = _dot(seg, o * e)
    den = _dot(seg, e)
    out_ref[...] = num / den


def _tc_forward(x1p2, half_rows, rating_rows, urep, opinion,
                W1, b1, W2, b2, Wa1, ba1, Wa2, ba2, Wa3, ba3, BB=128):
    B, D = urep.shape
    L = x1p2.shape[0] // B
    grid = (B // BB,)
    R = BB * L

    def full(shape):
        return pl.BlockSpec(shape, lambda i: (0, 0))

    return pl.pallas_call(
        functools.partial(_tc_body, L, D),
        grid=grid,
        in_specs=[
            pl.BlockSpec((R, 2 * D), lambda i: (i, 0)),
            pl.BlockSpec((R, 1), lambda i: (i, 0)),
            pl.BlockSpec((R, 1), lambda i: (i, 0)),
            pl.BlockSpec((BB, D), lambda i: (i, 0)),
            full(opinion.shape),
            full(W1.shape), full(b1.shape),
            full(W2.shape), full(b2.shape),
            full(Wa1.shape), full(ba1.shape),
            full(Wa2.shape), full(ba2.shape),
            full(Wa3.shape), full(ba3.shape),
        ],
        out_specs=pl.BlockSpec((BB, D), lambda i: (i, 0)),
        out_shape=jax.ShapeDtypeStruct((B, D), jnp.float32),
        compiler_params=pltpu.CompilerParams(
            dimension_semantics=("parallel",),
        ),
    )(x1p2, half_rows, rating_rows, urep, opinion,
      W1, b1, W2, b2, Wa1, ba1, Wa2, ba2, Wa3, ba3)



def kernel(nodes, user_item_pair, rating, item_table, user_table,
           opinion_table, W1, b1, W2, b2, Wa1, ba1, Wa2, ba2, Wa3, ba3):
    B, L = user_item_pair.shape
    D = item_table.shape[1]

    uidx = nodes.astype(jnp.int32)
    urep = _sc_user_gather(user_table.T, uidx)

    g2 = _tc_transform(item_table.T, W1[:, :D])
    iidx = user_item_pair.reshape(B * L).astype(jnp.int32)
    x1p2 = _sc_row_gather(g2, iidx % _H)
    half_rows = (iidx // _H).reshape(B * L, 1)

    rating_rows = rating.reshape(B * L, 1).astype(jnp.int32)
    return _tc_forward(
        x1p2, half_rows, rating_rows, urep, opinion_table,
        W1, b1.reshape(1, D), W2, b2.reshape(1, D),
        Wa1, ba1.reshape(1, D), Wa2, ba2.reshape(1, D),
        Wa3, ba3.reshape(1, 1),
    )

# --- scband reference (transcript-rebuilt; emitter-appended) ---
"""Pipeline reference for scband-user-item-aggregator-22419729285143 (READ-ONLY COPY).

The authoritative reference and input builder live on the scoring server;
editing this copy changes nothing except your own understanding.
"""

import jax, jax.numpy as jnp
import numpy as np

NUM_ITEMS = 1000000
NUM_USERS = 1000000
NUM_RATINGS = 5
D = 64
B = 1024
L = 50


def setup_inputs(seed: int = 0) -> dict:
    key = jax.random.key(seed)
    ks = jax.random.split(key, 20)
    s = 0.05
    inp = {}
    inp["nodes"] = jax.random.randint(ks[0], (B,), 0, NUM_USERS)
    inp["user_item_pair"] = jax.random.randint(ks[1], (B, L), 0, NUM_ITEMS)
    inp["rating"] = jax.random.randint(ks[2], (B, L), 0, NUM_RATINGS)
    inp["item_table"] = jax.random.normal(ks[3], (NUM_ITEMS, D), dtype=jnp.float32) * s
    inp["user_table"] = jax.random.normal(ks[4], (NUM_USERS, D), dtype=jnp.float32) * s
    inp["opinion_table"] = jax.random.normal(ks[5], (NUM_RATINGS, D), dtype=jnp.float32) * s
    inp["W1"] = jax.random.normal(ks[6], (D, 2 * D), dtype=jnp.float32) * s
    inp["b1"] = jnp.zeros((D,), dtype=jnp.float32)
    inp["W2"] = jax.random.normal(ks[7], (D, D), dtype=jnp.float32) * s
    inp["b2"] = jnp.zeros((D,), dtype=jnp.float32)
    inp["Wa1"] = jax.random.normal(ks[8], (D, 2 * D), dtype=jnp.float32) * s
    inp["ba1"] = jnp.zeros((D,), dtype=jnp.float32)
    inp["Wa2"] = jax.random.normal(ks[9], (D, D), dtype=jnp.float32) * s
    inp["ba2"] = jnp.zeros((D,), dtype=jnp.float32)
    inp["Wa3"] = jax.random.normal(ks[10], (1, D), dtype=jnp.float32) * s
    inp["ba3"] = jnp.zeros((1,), dtype=jnp.float32)
    return inp


def reference(nodes, user_item_pair, rating, item_table, user_table, opinion_table,
              W1, b1, W2, b2, Wa1, ba1, Wa2, ba2, Wa3, ba3):
    # user_modeling=True path of UserItem_Aggregator (GraphRec item aggregation), vectorized over batch.
    hist = jnp.take(item_table, user_item_pair, axis=0)          # [B, L, D] interacted item embeddings
    u_rep = jnp.take(user_table, nodes, axis=0)                  # [B, D] user representation
    r_emb = jnp.take(opinion_table, rating, axis=0)              # [B, L, D] opinion embeddings
    x = jnp.concatenate([hist, r_emb], axis=-1)                  # [B, L, 2D]
    x = jax.nn.relu(jnp.einsum('bld,kd->blk', x, W1) + b1)       # linear1 + relu
    o = jax.nn.relu(jnp.einsum('bld,kd->blk', x, W2) + b2)       # linear2 + relu -> interaction repr
    u_b = jnp.broadcast_to(u_rep[:, None, :], o.shape)           # repeat u_rep over neighbors
    a = jnp.concatenate([o, u_b], axis=-1)                       # [B, L, 2D]
    a = jax.nn.relu(jnp.einsum('bld,kd->blk', a, Wa1) + ba1)
    a = jax.nn.relu(jnp.einsum('bld,kd->blk', a, Wa2) + ba2)
    a = jnp.einsum('bld,kd->blk', a, Wa3) + ba3                  # [B, L, 1]
    att = jax.nn.softmax(a, axis=1)                              # softmax over neighbors (dim=0 per node)
    out = jnp.sum(o * att, axis=1)                               # weighted aggregation == o^T @ att per node
    return out

if __name__ == "__main__":
    import jax
    _d = setup_inputs()
    print(jax.jit(kernel)(*tuple(_d.values())))

</pallas_src>

<mosaic_0001>
#map = affine_map<(d0, d1) -> (0, 0)>
#map1 = affine_map<(d0, d1) -> (0)>
module attributes {stable_mosaic.version = 14 : i64} {
  func.func @gather_k(%arg0: i32, %arg1: i32, %arg2: memref<262144x128xi32, #tpu.memory_space<hbm>>, %arg3: memref<51200xi32, #tpu.memory_space<hbm>>, %arg4: memref<51200x128xi32, #tpu.memory_space<hbm>>, %arg5: memref<1600xi32, #tpu.memory_space<vmem>>, %arg6: memref<800x128xi32, #tpu.memory_space<vmem>>, %arg7: memref<!tpu.dma_semaphore, #tpu.memory_space<semaphore_mem>>) attributes {dimension_semantics = [#tpu.dimension_semantics<core_parallel>, #tpu.dimension_semantics<subcore_parallel>], iteration_bounds = array<i64: 2, 16>, scalar_prefetch = 0 : i64, scratch_operands = 3 : i64, tpu.core_type = #tpu.core_type<sc_vector_subcore>, window_params = [{transform_indices = #map}, {transform_indices = #map1}, {transform_indices = #map}]} {
    %mul3A = arith.constant 2 : i32
    %mul3A_0 = arith.muli %arg1, %mul3A : i32
    %add3A = arith.addi %mul3A_0, %arg0 : i32
    %mul3A_1 = arith.constant 1600 : i32
    %mul3A_2 = arith.muli %add3A, %mul3A_1 : i32
    "tpu.region"() ({
      %run_scoped3A = tpu.sem_alloc : memref<!tpu.dma_semaphore, #tpu.memory_space<semaphore_mem>>
      %dma_start3A = tpu.memref_slice %arg3[%mul3A_2] : memref<51200xi32, #tpu.memory_space<hbm>> -> memref<1600xi32, #tpu.memory_space<hbm>>
      %dma_start3A_30 = tpu.memref_slice %arg3[%mul3A_2] : memref<51200xi32, #tpu.memory_space<hbm>> -> memref<1600xi32, #tpu.memory_space<hbm>>
      tpu.enqueue_dma source(%dma_start3A_30 : memref<1600xi32, #tpu.memory_space<hbm>>) target(%arg5 : memref<1600xi32, #tpu.memory_space<vmem>>) target_semaphore(%run_scoped3A : memref<!tpu.dma_semaphore, #tpu.memory_space<semaphore_mem>>)
      %dma_wait3A = tpu.memref_slice %arg3[%mul3A_2] : memref<51200xi32, #tpu.memory_space<hbm>> -> memref<1600xi32, #tpu.memory_space<hbm>>
      %dma_wait3A_31 = tpu.memref_slice %arg3[%mul3A_2] : memref<51200xi32, #tpu.memory_space<hbm>> -> memref<1600xi32, #tpu.memory_space<hbm>>
      tpu.wait_dma2 semaphore(%run_scoped3A : memref<!tpu.dma_semaphore, #tpu.memory_space<semaphore_mem>>) src(%dma_wait3A_31 : memref<1600xi32, #tpu.memory_space<hbm>>) dst(%arg5 : memref<1600xi32, #tpu.memory_space<vmem>>)
      tpu.yield
    }) : () -> ()
    %scan3A = arith.constant 0 : i32
    %scan3A_3 = arith.constant 0 : i32
    %scan3A_4 = arith.constant 10 : i32
    %scan3A_5 = arith.addi %scan3A_3, %scan3A_4 : i32
    %scan3A_6 = arith.constant 1 : i32
    scf.for %scan3A_30 = %scan3A_3 to %scan3A_5 step %scan3A_6  : i32 {
      %mul3A_31 = arith.constant 80 : i32
      %mul3A_32 = arith.muli %scan3A_30, %mul3A_31 : i32
      %add3A_33 = arith.constant 0 : i32
      %add3A_34 = arith.addi %add3A_33, %mul3A_32 : i32
      %mul3A_35 = arith.constant 80 : i32
      %mul3A_36 = arith.muli %scan3A_30, %mul3A_35 : i32
      %dma_start3A = arith.constant 0 : i32
      %dma_start3A_37 = tpu.memref_slice %arg6[%mul3A_36, %dma_start3A] : memref<800x128xi32, #tpu.memory_space<vmem>> -> memref<80x128xi32, #tpu.memory_space<vmem>>
      %dma_start3A_38 = tpu.memref_slice %arg5[%add3A_34] : memref<1600xi32, #tpu.memory_space<vmem>> -> memref<80xi32, #tpu.memory_space<vmem>>
      %dma_start3A_39 = arith.constant 0 : i32
      %dma_start3A_40 = arith.constant 0 : i32
      %dma_start3A_41 = tpu.memref_slice %arg2[%dma_start3A_39, %dma_start3A_40] : memref<262144x128xi32, #tpu.memory_space<hbm>> -> memref<262144x128xi32, #tpu.memory_space<hbm>>
      tpu.enqueue_indirect_dma source(%dma_start3A_41 : memref<262144x128xi32, #tpu.memory_space<hbm>>) target(%dma_start3A_37 : memref<80x128xi32, #tpu.memory_space<vmem>>) offsets(%dma_start3A_38 : memref<80xi32, #tpu.memory_space<vmem>>) semaphore(%arg7 : memref<!tpu.dma_semaphore, #tpu.memory_space<semaphore_mem>>)
    }
    %scan3A_7 = arith.constant 10 : i32
    %scan3A_8 = arith.constant 0 : i32
    %scan3A_9 = arith.constant 0 : i32
    %scan3A_10 = arith.constant 10 : i32
    %scan3A_11 = arith.addi %scan3A_9, %scan3A_10 : i32
    %scan3A_12 = arith.constant 1 : i32
    scf.for %scan3A_30 = %scan3A_9 to %scan3A_11 step %scan3A_12  : i32 {
      %dma_wait3A = arith.constant 0 : i32
      %dma_wait3A_31 = arith.constant 0 : i32
      %dma_wait3A_32 = tpu.memref_slice %arg6[%dma_wait3A, %dma_wait3A_31] : memref<800x128xi32, #tpu.memory_space<vmem>> -> memref<80x128xi32, #tpu.memory_space<vmem>>
      %dma_wait3A_33 = arith.constant 0 : i32
      %dma_wait3A_34 = tpu.memref_slice %arg5[%dma_wait3A_33] : memref<1600xi32, #tpu.memory_space<vmem>> -> memref<80xi32, #tpu.memory_space<vmem>>
      %dma_wait3A_35 = arith.constant 0 : i32
      %dma_wait3A_36 = arith.constant 0 : i32
      %dma_wait3A_37 = tpu.memref_slice %arg2[%dma_wait3A_35, %dma_wait3A_36] : memref<262144x128xi32, #tpu.memory_space<hbm>> -> memref<262144x128xi32, #tpu.memory_space<hbm>>
      tpu.wait_indirect_dma semaphore(%arg7 : memref<!tpu.dma_semaphore, #tpu.memory_space<semaphore_mem>>) src(%dma_wait3A_37 : memref<262144x128xi32, #tpu.memory_space<hbm>>) dst(%dma_wait3A_32 : memref<80x128xi32, #tpu.memory_space<vmem>>)
    }
    %scan3A_13 = arith.constant 10 : i32
    %add3A_14 = arith.constant 0 : i32
    %add3A_15 = arith.addi %mul3A_2, %add3A_14 : i32
    "tpu.region"() ({
      %run_scoped3A = tpu.sem_alloc : memref<!tpu.dma_semaphore, #tpu.memory_space<semaphore_mem>>
      %dma_start3A = arith.constant 0 : i32
      %dma_start3A_30 = tpu.memref_slice %arg4[%add3A_15, %dma_start3A] : memref<51200x128xi32, #tpu.memory_space<hbm>> -> memref<800x128xi32, #tpu.memory_space<hbm>>
      %dma_start3A_31 = arith.constant 0 : i32
      %dma_start3A_32 = tpu.memref_slice %arg4[%add3A_15, %dma_start3A_31] : memref<51200x128xi32, #tpu.memory_space<hbm>> -> memref<800x128xi32, #tpu.memory_space<hbm>>
      tpu.enqueue_dma source(%arg6 : memref<800x128xi32, #tpu.memory_space<vmem>>) target(%dma_start3A_32 : memref<800x128xi32, #tpu.memory_space<hbm>>) target_semaphore(%run_scoped3A : memref<!tpu.dma_semaphore, #tpu.memory_space<semaphore_mem>>)
      %dma_wait3A = arith.constant 0 : i32
      %dma_wait3A_33 = tpu.memref_slice %arg4[%add3A_15, %dma_wait3A] : memref<51200x128xi32, #tpu.memory_space<hbm>> -> memref<800x128xi32, #tpu.memory_space<hbm>>
      %dma_wait3A_34 = arith.constant 0 : i32
      %dma_wait3A_35 = tpu.memref_slice %arg4[%add3A_15, %dma_wait3A_34] : memref<51200x128xi32, #tpu.memory_space<hbm>> -> memref<800x128xi32, #tpu.memory_space<hbm>>
      tpu.wait_dma2 semaphore(%run_scoped3A : memref<!tpu.dma_semaphore, #tpu.memory_space<semaphore_mem>>) src(%arg6 : memref<800x128xi32, #tpu.memory_space<vmem>>) dst(%dma_wait3A_35 : memref<800x128xi32, #tpu.memory_space<hbm>>)
      tpu.yield
    }) : () -> ()
    %scan3A_16 = arith.constant 0 : i32
    %scan3A_17 = arith.constant 0 : i32
    %scan3A_18 = arith.constant 10 : i32
    %scan3A_19 = arith.addi %scan3A_17, %scan3A_18 : i32
    %scan3A_20 = arith.constant 1 : i32
    scf.for %scan3A_30 = %scan3A_17 to %scan3A_19 step %scan3A_20  : i32 {
      %mul3A_31 = arith.constant 80 : i32
      %mul3A_32 = arith.muli %scan3A_30, %mul3A_31 : i32
      %add3A_33 = arith.constant 800 : i32
      %add3A_34 = arith.addi %add3A_33, %mul3A_32 : i32
      %mul3A_35 = arith.constant 80 : i32
      %mul3A_36 = arith.muli %scan3A_30, %mul3A_35 : i32
      %dma_start3A = arith.constant 0 : i32
      %dma_start3A_37 = tpu.memref_slice %arg6[%mul3A_36, %dma_start3A] : memref<800x128xi32, #tpu.memory_space<vmem>> -> memref<80x128xi32, #tpu.memory_space<vmem>>
      %dma_start3A_38 = tpu.memref_slice %arg5[%add3A_34] : memref<1600xi32, #tpu.memory_space<vmem>> -> memref<80xi32, #tpu.memory_space<vmem>>
      %dma_start3A_39 = arith.constant 0 : i32
      %dma_start3A_40 = arith.constant 0 : i32
      %dma_start3A_41 = tpu.memref_slice %arg2[%dma_start3A_39, %dma_start3A_40] : memref<262144x128xi32, #tpu.memory_space<hbm>> -> memref<262144x128xi32, #tpu.memory_space<hbm>>
      tpu.enqueue_indirect_dma source(%dma_start3A_41 : memref<262144x128xi32, #tpu.memory_space<hbm>>) target(%dma_start3A_37 : memref<80x128xi32, #tpu.memory_space<vmem>>) offsets(%dma_start3A_38 : memref<80xi32, #tpu.memory_space<vmem>>) semaphore(%arg7 : memref<!tpu.dma_semaphore, #tpu.memory_space<semaphore_mem>>)
    }
    %scan3A_21 = arith.constant 10 : i32
    %scan3A_22 = arith.constant 0 : i32
    %scan3A_23 = arith.constant 0 : i32
    %scan3A_24 = arith.constant 10 : i32
    %scan3A_25 = arith.addi %scan3A_23, %scan3A_24 : i32
    %scan3A_26 = arith.constant 1 : i32
    scf.for %scan3A_30 = %scan3A_23 to %scan3A_25 step %scan3A_26  : i32 {
      %dma_wait3A = arith.constant 0 : i32
      %dma_wait3A_31 = arith.constant 0 : i32
      %dma_wait3A_32 = tpu.memref_slice %arg6[%dma_wait3A, %dma_wait3A_31] : memref<800x128xi32, #tpu.memory_space<vmem>> -> memref<80x128xi32, #tpu.memory_space<vmem>>
      %dma_wait3A_33 = arith.constant 0 : i32
      %dma_wait3A_34 = tpu.memref_slice %arg5[%dma_wait3A_33] : memref<1600xi32, #tpu.memory_space<vmem>> -> memref<80xi32, #tpu.memory_space<vmem>>
      %dma_wait3A_35 = arith.constant 0 : i32
      %dma_wait3A_36 = arith.constant 0 : i32
      %dma_wait3A_37 = tpu.memref_slice %arg2[%dma_wait3A_35, %dma_wait3A_36] : memref<262144x128xi32, #tpu.memory_space<hbm>> -> memref<262144x128xi32, #tpu.memory_space<hbm>>
      tpu.wait_indirect_dma semaphore(%arg7 : memref<!tpu.dma_semaphore, #tpu.memory_space<semaphore_mem>>) src(%dma_wait3A_37 : memref<262144x128xi32, #tpu.memory_space<hbm>>) dst(%dma_wait3A_32 : memref<80x128xi32, #tpu.memory_space<vmem>>)
    }
    %scan3A_27 = arith.constant 10 : i32
    %add3A_28 = arith.constant 800 : i32
    %add3A_29 = arith.addi %mul3A_2, %add3A_28 : i32
    "tpu.region"() ({
      %run_scoped3A = tpu.sem_alloc : memref<!tpu.dma_semaphore, #tpu.memory_space<semaphore_mem>>
      %dma_start3A = arith.constant 0 : i32
      %dma_start3A_30 = tpu.memref_slice %arg4[%add3A_29, %dma_start3A] : memref<51200x128xi32, #tpu.memory_space<hbm>> -> memref<800x128xi32, #tpu.memory_space<hbm>>
      %dma_start3A_31 = arith.constant 0 : i32
      %dma_start3A_32 = tpu.memref_slice %arg4[%add3A_29, %dma_start3A_31] : memref<51200x128xi32, #tpu.memory_space<hbm>> -> memref<800x128xi32, #tpu.memory_space<hbm>>
      tpu.enqueue_dma source(%arg6 : memref<800x128xi32, #tpu.memory_space<vmem>>) target(%dma_start3A_32 : memref<800x128xi32, #tpu.memory_space<hbm>>) target_semaphore(%run_scoped3A : memref<!tpu.dma_semaphore, #tpu.memory_space<semaphore_mem>>)
      %dma_wait3A = arith.constant 0 : i32
      %dma_wait3A_33 = tpu.memref_slice %arg4[%add3A_29, %dma_wait3A] : memref<51200x128xi32, #tpu.memory_space<hbm>> -> memref<800x128xi32, #tpu.memory_space<hbm>>
      %dma_wait3A_34 = arith.constant 0 : i32
      %dma_wait3A_35 = tpu.memref_slice %arg4[%add3A_29, %dma_wait3A_34] : memref<51200x128xi32, #tpu.memory_space<hbm>> -> memref<800x128xi32, #tpu.memory_space<hbm>>
      tpu.wait_dma2 semaphore(%run_scoped3A : memref<!tpu.dma_semaphore, #tpu.memory_space<semaphore_mem>>) src(%arg6 : memref<800x128xi32, #tpu.memory_space<vmem>>) dst(%dma_wait3A_35 : memref<800x128xi32, #tpu.memory_space<hbm>>)
      tpu.yield
    }) : () -> ()
    return
  }
}

#map = affine_map<(d0, d1) -> (0, 0)>
#map1 = affine_map<(d0, d1) -> (0)>
module attributes {stable_mosaic.version = 14 : i64} {
  func.func @user_k(%arg0: i32, %arg1: i32, %arg2: memref<64x1000000xf32, #tpu.memory_space<hbm>>, %arg3: memref<1024xi32, #tpu.memory_space<hbm>>, %arg4: memref<65536xf32, #tpu.memory_space<hbm>>, %arg5: memref<32xi32, #tpu.memory_space<vmem>>, %arg6: memref<64x128xf32, #tpu.memory_space<vmem>>, %arg7: memref<64x128xf32, #tpu.memory_space<vmem>>, %arg8: memref<2048xf32, #tpu.memory_space<vmem>>, %arg9: memref<!tpu.dma_semaphore, #tpu.memory_space<semaphore_mem>>, %arg10: memref<!tpu.dma_semaphore, #tpu.memory_space<semaphore_mem>>) attributes {dimension_semantics = [#tpu.dimension_semantics<core_parallel>, #tpu.dimension_semantics<subcore_parallel>], iteration_bounds = array<i64: 2, 16>, scalar_prefetch = 0 : i64, scratch_operands = 6 : i64, tpu.core_type = #tpu.core_type<sc_vector_subcore>, window_params = [{transform_indices = #map}, {transform_indices = #map1}, {transform_indices = #map1}]} {
    %mul3A = arith.constant 2 : i32
    %mul3A_0 = arith.muli %arg1, %mul3A : i32
    %add3A = arith.addi %mul3A_0, %arg0 : i32
    %mul3A_1 = arith.constant 32 : i32
    %mul3A_2 = arith.muli %add3A, %mul3A_1 : i32
    "tpu.region"() ({
      %run_scoped3A = tpu.sem_alloc : memref<!tpu.dma_semaphore, #tpu.memory_space<semaphore_mem>>
      %dma_start3A = tpu.memref_slice %arg3[%mul3A_2] : memref<1024xi32, #tpu.memory_space<hbm>> -> memref<32xi32, #tpu.memory_space<hbm>>
      %dma_start3A_12 = tpu.memref_slice %arg3[%mul3A_2] : memref<1024xi32, #tpu.memory_space<hbm>> -> memref<32xi32, #tpu.memory_space<hbm>>
      tpu.enqueue_dma source(%dma_start3A_12 : memref<32xi32, #tpu.memory_space<hbm>>) target(%arg5 : memref<32xi32, #tpu.memory_space<vmem>>) target_semaphore(%run_scoped3A : memref<!tpu.dma_semaphore, #tpu.memory_space<semaphore_mem>>)
      %dma_wait3A = tpu.memref_slice %arg3[%mul3A_2] : memref<1024xi32, #tpu.memory_space<hbm>> -> memref<32xi32, #tpu.memory_space<hbm>>
      %dma_wait3A_13 = tpu.memref_slice %arg3[%mul3A_2] : memref<1024xi32, #tpu.memory_space<hbm>> -> memref<32xi32, #tpu.memory_space<hbm>>
      tpu.wait_dma2 semaphore(%run_scoped3A : memref<!tpu.dma_semaphore, #tpu.memory_space<semaphore_mem>>) src(%dma_wait3A_13 : memref<32xi32, #tpu.memory_space<hbm>>) dst(%arg5 : memref<32xi32, #tpu.memory_space<vmem>>)
      tpu.yield
    }) : () -> ()
    %iota3A = tpu.iota {dimensions = array<i32: 0>} : vector<16xi32>
    %scan3A = arith.constant 0 : i32
    %scan3A_3 = arith.constant 0 : i32
    %scan3A_4 = arith.constant 16 : i32
    %scan3A_5 = arith.addi %scan3A_3, %scan3A_4 : i32
    %scan3A_6 = arith.constant 1 : i32
    scf.for %scan3A_12 = %scan3A_3 to %scan3A_5 step %scan3A_6  : i32 {
      %mul3A_13 = arith.constant 2 : i32
      %mul3A_14 = arith.muli %scan3A_12, %mul3A_13 : i32
      %add3A_15 = arith.constant 1 : i32
      %add3A_16 = arith.addi %mul3A_14, %add3A_15 : i32
      %jit3A = arith.constant 16 : i32
      %div3A = arith.divsi %mul3A_14, %jit3A : i32
      %sign3A = arith.constant 0 : i32
      %sign3A_17 = arith.cmpi sgt, %mul3A_14, %sign3A : i32
      %sign3A_18 = arith.extui %sign3A_17 : i1 to i32
      %sign3A_19 = arith.constant 0 : i32
      %sign3A_20 = arith.cmpi slt, %mul3A_14, %sign3A_19 : i32
      %sign3A_21 = arith.extui %sign3A_20 : i1 to i32
      %sign3A_22 = arith.subi %sign3A_18, %sign3A_21 : i32
      %sign3A_23 = arith.constant 0 : i32
      %sign3A_24 = arith.cmpi sgt, %jit3A, %sign3A_23 : i32
      %sign3A_25 = arith.extui %sign3A_24 : i1 to i32
      %sign3A_26 = arith.constant 0 : i32
      %sign3A_27 = arith.cmpi slt, %jit3A, %sign3A_26 : i32
      %sign3A_28 = arith.extui %sign3A_27 : i1 to i32
      %sign3A_29 = arith.subi %sign3A_25, %sign3A_28 : i32
      %ne3A = arith.cmpi ne, %sign3A_22, %sign3A_29 : i32
      %rem3A = arith.remsi %mul3A_14, %jit3A : i32
      %ne3A_30 = arith.constant 0 : i32
      %ne3A_31 = arith.cmpi ne, %rem3A, %ne3A_30 : i32
      %and3A = arith.andi %ne3A, %ne3A_31 : i1
      %sub3A = arith.constant 1 : i32
      %sub3A_32 = arith.subi %div3A, %sub3A : i32
      %select_n3A = arith.select %and3A, %sub3A_32, %div3A : i32
      %mul3A_33 = arith.constant 16 : i32
      %mul3A_34 = arith.muli %select_n3A, %mul3A_33 : i32
      %get3A = arith.index_cast %mul3A_34 : i32 to index
      %get3A_35 = tpu.vector_load %arg5[%get3A] {strides = array<i32>} : memref<32xi32, #tpu.memory_space<vmem>>, vector<16xi32>,
      %jit3A_36 = arith.constant 16 : i32
      %eq3A = arith.constant 0 : i32
      %eq3A_37 = arith.cmpi eq, %jit3A_36, %eq3A : i32
      %jit3A_38 = arith.constant 1 : i32
      %select_n3A_39 = arith.select %eq3A_37, %jit3A_38, %jit3A_36 : i32
      %rem3A_40 = arith.remsi %mul3A_14, %select_n3A_39 : i32
      %ne3A_41 = arith.constant 0 : i32
      %ne3A_42 = arith.cmpi ne, %rem3A_40, %ne3A_41 : i32
      %lt3A = arith.constant 0 : i32
      %lt3A_43 = arith.cmpi slt, %rem3A_40, %lt3A : i32
      %lt3A_44 = arith.constant 0 : i32
      %lt3A_45 = arith.cmpi slt, %select_n3A_39, %lt3A_44 : i32
      %ne3A_46 = arith.xori %lt3A_43, %lt3A_45 : i1
      %and3A_47 = arith.andi %ne3A_46, %ne3A_42 : i1
      %add3A_48 = arith.addi %rem3A_40, %select_n3A_39 : i32
      %select_n3A_49 = arith.select %and3A_47, %add3A_48, %rem3A_40 : i32
      %eq3A_50 = vector.broadcast %select_n3A_49 : i32 to vector<16xi32>
      %eq3A_51 = arith.cmpi eq, %iota3A, %eq3A_50 : vector<16xi32>
      %jit3A_52 = arith.constant 0 : i32
      %broadcast_in_dim3A = vector.broadcast %jit3A_52 : i32 to vector<16xi32>
      %select_n3A_53 = arith.select %eq3A_51, %get3A_35, %broadcast_in_dim3A : vector<16xi1>, vector<16xi32>
      %reduce_max3A = arith.constant true
      %reduce_max3A_54 = vector.broadcast %reduce_max3A : i1 to vector<16xi1>
      %reduce_max3A_55 = arith.constant -2147483648 : i32
      %reduce_max3A_56 = vector.broadcast %reduce_max3A_55 : i32 to vector<16xi32>
      %reduce_max3A_57 = arith.xori %select_n3A_53, %reduce_max3A_56 : vector<16xi32>
      %reduce_max3A_58 = tpu.scan <max>, %reduce_max3A_57 masked %reduce_max3A_54 : vector<16xi32>, vector<16xi1> -> vector<16xi32>
      %reduce_max3A_59 = arith.xori %reduce_max3A_58, %reduce_max3A_56 : vector<16xi32>
      %reduce_max3A_60 = vector.extract %reduce_max3A_59[15] : i32 from vector<16xi32>
      %jit3A_61 = arith.constant 16 : i32
      %div3A_62 = arith.divsi %add3A_16, %jit3A_61 : i32
      %sign3A_63 = arith.constant 0 : i32
      %sign3A_64 = arith.cmpi sgt, %add3A_16, %sign3A_63 : i32
      %sign3A_65 = arith.extui %sign3A_64 : i1 to i32
      %sign3A_66 = arith.constant 0 : i32
      %sign3A_67 = arith.cmpi slt, %add3A_16, %sign3A_66 : i32
      %sign3A_68 = arith.extui %sign3A_67 : i1 to i32
      %sign3A_69 = arith.subi %sign3A_65, %sign3A_68 : i32
      %sign3A_70 = arith.constant 0 : i32
      %sign3A_71 = arith.cmpi sgt, %jit3A_61, %sign3A_70 : i32
      %sign3A_72 = arith.extui %sign3A_71 : i1 to i32
      %sign3A_73 = arith.constant 0 : i32
      %sign3A_74 = arith.cmpi slt, %jit3A_61, %sign3A_73 : i32
      %sign3A_75 = arith.extui %sign3A_74 : i1 to i32
      %sign3A_76 = arith.subi %sign3A_72, %sign3A_75 : i32
      %ne3A_77 = arith.cmpi ne, %sign3A_69, %sign3A_76 : i32
      %rem3A_78 = arith.remsi %add3A_16, %jit3A_61 : i32
      %ne3A_79 = arith.constant 0 : i32
      %ne3A_80 = arith.cmpi ne, %rem3A_78, %ne3A_79 : i32
      %and3A_81 = arith.andi %ne3A_77, %ne3A_80 : i1
      %sub3A_82 = arith.constant 1 : i32
      %sub3A_83 = arith.subi %div3A_62, %sub3A_82 : i32
      %select_n3A_84 = arith.select %and3A_81, %sub3A_83, %div3A_62 : i32
      %mul3A_85 = arith.constant 16 : i32
      %mul3A_86 = arith.muli %select_n3A_84, %mul3A_85 : i32
      %get3A_87 = arith.index_cast %mul3A_86 : i32 to index
      %get3A_88 = tpu.vector_load %arg5[%get3A_87] {strides = array<i32>} : memref<32xi32, #tpu.memory_space<vmem>>, vector<16xi32>,
      %jit3A_89 = arith.constant 16 : i32
      %eq3A_90 = arith.constant 0 : i32
      %eq3A_91 = arith.cmpi eq, %jit3A_89, %eq3A_90 : i32
      %jit3A_92 = arith.constant 1 : i32
      %select_n3A_93 = arith.select %eq3A_91, %jit3A_92, %jit3A_89 : i32
      %rem3A_94 = arith.remsi %add3A_16, %select_n3A_93 : i32
      %ne3A_95 = arith.constant 0 : i32
      %ne3A_96 = arith.cmpi ne, %rem3A_94, %ne3A_95 : i32
      %lt3A_97 = arith.constant 0 : i32
      %lt3A_98 = arith.cmpi slt, %rem3A_94, %lt3A_97 : i32
      %lt3A_99 = arith.constant 0 : i32
      %lt3A_100 = arith.cmpi slt, %select_n3A_93, %lt3A_99 : i32
      %ne3A_101 = arith.xori %lt3A_98, %lt3A_100 : i1
      %and3A_102 = arith.andi %ne3A_101, %ne3A_96 : i1
      %add3A_103 = arith.addi %rem3A_94, %select_n3A_93 : i32
      %select_n3A_104 = arith.select %and3A_102, %add3A_103, %rem3A_94 : i32
      %eq3A_105 = vector.broadcast %select_n3A_104 : i32 to vector<16xi32>
      %eq3A_106 = arith.cmpi eq, %iota3A, %eq3A_105 : vector<16xi32>
      %jit3A_107 = arith.constant 0 : i32
      %broadcast_in_dim3A_108 = vector.broadcast %jit3A_107 : i32 to vector<16xi32>
      %select_n3A_109 = arith.select %eq3A_106, %get3A_88, %broadcast_in_dim3A_108 : vector<16xi1>, vector<16xi32>
      %reduce_max3A_110 = arith.constant true
      %reduce_max3A_111 = vector.broadcast %reduce_max3A_110 : i1 to vector<16xi1>
      %reduce_max3A_112 = arith.constant -2147483648 : i32
      %reduce_max3A_113 = vector.broadcast %reduce_max3A_112 : i32 to vector<16xi32>
      %reduce_max3A_114 = arith.xori %select_n3A_109, %reduce_max3A_113 : vector<16xi32>
      %reduce_max3A_115 = tpu.scan <max>, %reduce_max3A_114 masked %reduce_max3A_111 : vector<16xi32>, vector<16xi1> -> vector<16xi32>
      %reduce_max3A_116 = arith.xori %reduce_max3A_115, %reduce_max3A_113 : vector<16xi32>
      %reduce_max3A_117 = vector.extract %reduce_max3A_116[15] : i32 from vector<16xi32>
      %jit3A_118 = arith.constant 128 : i32
      %div3A_119 = arith.divsi %reduce_max3A_60, %jit3A_118 : i32
      %sign3A_120 = arith.constant 0 : i32
      %sign3A_121 = arith.cmpi sgt, %reduce_max3A_60, %sign3A_120 : i32
      %sign3A_122 = arith.extui %sign3A_121 : i1 to i32
      %sign3A_123 = arith.constant 0 : i32
      %sign3A_124 = arith.cmpi slt, %reduce_max3A_60, %sign3A_123 : i32
      %sign3A_125 = arith.extui %sign3A_124 : i1 to i32
      %sign3A_126 = arith.subi %sign3A_122, %sign3A_125 : i32
      %sign3A_127 = arith.constant 0 : i32
      %sign3A_128 = arith.cmpi sgt, %jit3A_118, %sign3A_127 : i32
      %sign3A_129 = arith.extui %sign3A_128 : i1 to i32
      %sign3A_130 = arith.constant 0 : i32
      %sign3A_131 = arith.cmpi slt, %jit3A_118, %sign3A_130 : i32
      %sign3A_132 = arith.extui %sign3A_131 : i1 to i32
      %sign3A_133 = arith.subi %sign3A_129, %sign3A_132 : i32
      %ne3A_134 = arith.cmpi ne, %sign3A_126, %sign3A_133 : i32
      %rem3A_135 = arith.remsi %reduce_max3A_60, %jit3A_118 : i32
      %ne3A_136 = arith.constant 0 : i32
      %ne3A_137 = arith.cmpi ne, %rem3A_135, %ne3A_136 : i32
      %and3A_138 = arith.andi %ne3A_134, %ne3A_137 : i1
      %sub3A_139 = arith.constant 1 : i32
      %sub3A_140 = arith.subi %div3A_119, %sub3A_139 : i32
      %select_n3A_141 = arith.select %and3A_138, %sub3A_140, %div3A_119 : i32
      %mul3A_142 = arith.constant 128 : i32
      %mul3A_143 = arith.muli %select_n3A_141, %mul3A_142 : i32
      %multiple_of3A = tpu.assume_multiple %mul3A_143, 128 : i32
      %jit3A_144 = arith.constant 128 : i32
      %div3A_145 = arith.divsi %reduce_max3A_117, %jit3A_144 : i32
      %sign3A_146 = arith.constant 0 : i32
      %sign3A_147 = arith.cmpi sgt, %reduce_max3A_117, %sign3A_146 : i32
      %sign3A_148 = arith.extui %sign3A_147 : i1 to i32
      %sign3A_149 = arith.constant 0 : i32
      %sign3A_150 = arith.cmpi slt, %reduce_max3A_117, %sign3A_149 : i32
      %sign3A_151 = arith.extui %sign3A_150 : i1 to i32
      %sign3A_152 = arith.subi %sign3A_148, %sign3A_151 : i32
      %sign3A_153 = arith.constant 0 : i32
      %sign3A_154 = arith.cmpi sgt, %jit3A_144, %sign3A_153 : i32
      %sign3A_155 = arith.extui %sign3A_154 : i1 to i32
      %sign3A_156 = arith.constant 0 : i32
      %sign3A_157 = arith.cmpi slt, %jit3A_144, %sign3A_156 : i32
      %sign3A_158 = arith.extui %sign3A_157 : i1 to i32
      %sign3A_159 = arith.subi %sign3A_155, %sign3A_158 : i32
      %ne3A_160 = arith.cmpi ne, %sign3A_152, %sign3A_159 : i32
      %rem3A_161 = arith.remsi %reduce_max3A_117, %jit3A_144 : i32
      %ne3A_162 = arith.constant 0 : i32
      %ne3A_163 = arith.cmpi ne, %rem3A_161, %ne3A_162 : i32
      %and3A_164 = arith.andi %ne3A_160, %ne3A_163 : i1
      %sub3A_165 = arith.constant 1 : i32
      %sub3A_166 = arith.subi %div3A_145, %sub3A_165 : i32
      %select_n3A_167 = arith.select %and3A_164, %sub3A_166, %div3A_145 : i32
      %mul3A_168 = arith.constant 128 : i32
      %mul3A_169 = arith.muli %select_n3A_167, %mul3A_168 : i32
      %multiple_of3A_170 = tpu.assume_multiple %mul3A_169, 128 : i32
      %dma_start3A = arith.constant 0 : i32
      %dma_start3A_171 = tpu.memref_slice %arg2[%dma_start3A, %multiple_of3A] : memref<64x1000000xf32, #tpu.memory_space<hbm>> -> memref<64x128xf32, #tpu.memory_space<hbm>>
      %dma_start3A_172 = arith.constant 0 : i32
      %dma_start3A_173 = tpu.memref_slice %arg2[%dma_start3A_172, %multiple_of3A] : memref<64x1000000xf32, #tpu.memory_space<hbm>> -> memref<64x128xf32, #tpu.memory_space<hbm>>
      tpu.enqueue_dma source(%dma_start3A_173 : memref<64x128xf32, #tpu.memory_space<hbm>>) target(%arg6 : memref<64x128xf32, #tpu.memory_space<vmem>>) target_semaphore(%arg9 : memref<!tpu.dma_semaphore, #tpu.memory_space<semaphore_mem>>)
      %dma_start3A_174 = arith.constant 0 : i32
      %dma_start3A_175 = tpu.memref_slice %arg2[%dma_start3A_174, %multiple_of3A_170] : memref<64x1000000xf32, #tpu.memory_space<hbm>> -> memref<64x128xf32, #tpu.memory_space<hbm>>
      %dma_start3A_176 = arith.constant 0 : i32
      %dma_start3A_177 = tpu.memref_slice %arg2[%dma_start3A_176, %multiple_of3A_170] : memref<64x1000000xf32, #tpu.memory_space<hbm>> -> memref<64x128xf32, #tpu.memory_space<hbm>>
      tpu.enqueue_dma source(%dma_start3A_177 : memref<64x128xf32, #tpu.memory_space<hbm>>) target(%arg7 : memref<64x128xf32, #tpu.memory_space<vmem>>) target_semaphore(%arg10 : memref<!tpu.dma_semaphore, #tpu.memory_space<semaphore_mem>>)
      %dma_wait3A = arith.constant 0 : i32
      %dma_wait3A_178 = tpu.memref_slice %arg2[%dma_wait3A, %multiple_of3A] : memref<64x1000000xf32, #tpu.memory_space<hbm>> -> memref<64x128xf32, #tpu.memory_space<hbm>>
      %dma_wait3A_179 = arith.constant 0 : i32
      %dma_wait3A_180 = tpu.memref_slice %arg2[%dma_wait3A_179, %multiple_of3A] : memref<64x1000000xf32, #tpu.memory_space<hbm>> -> memref<64x128xf32, #tpu.memory_space<hbm>>
      tpu.wait_dma2 semaphore(%arg9 : memref<!tpu.dma_semaphore, #tpu.memory_space<semaphore_mem>>) src(%dma_wait3A_180 : memref<64x128xf32, #tpu.memory_space<hbm>>) dst(%arg6 : memref<64x128xf32, #tpu.memory_space<vmem>>)
      %sub3A_181 = arith.subi %reduce_max3A_60, %multiple_of3A : i32
      %iota3A_182 = tpu.iota {dimensions = array<i32: 0>} : vector<16xi32>
      %add3A_183 = arith.constant 0 : i32
      %add3A_184 = vector.broadcast %add3A_183 : i32 to vector<16xi32>
      %add3A_185 = arith.addi %iota3A_182, %add3A_184 : vector<16xi32>
      %broadcast_in_dim3A_186 = vector.broadcast %sub3A_181 : i32 to vector<16xi32>
      %gather3A = tpu.vector_load_idx %arg6[%add3A_185, %broadcast_in_dim3A_186] : memref<64x128xf32, #tpu.memory_space<vmem>>[vector<16xi32>, vector<16xi32>], vector<16xf32>,
      %iota3A_187 = tpu.iota {dimensions = array<i32: 0>} : vector<16xi32>
      %mul3A_188 = arith.constant 64 : i32
      %mul3A_189 = arith.muli %mul3A_14, %mul3A_188 : i32
      %add3A_190 = arith.constant 0 : i32
      %add3A_191 = arith.addi %mul3A_189, %add3A_190 : i32
      %add3A_192 = vector.broadcast %add3A_191 : i32 to vector<16xi32>
      %add3A_193 = arith.addi %iota3A_187, %add3A_192 : vector<16xi32>
      tpu.vector_store_idx %arg8[%add3A_193], %gather3A : memref<2048xf32, #tpu.memory_space<vmem>>[vector<16xi32>], vector<16xf32>,
      %iota3A_194 = tpu.iota {dimensions = array<i32: 0>} : vector<16xi32>
      %add3A_195 = arith.constant 16 : i32
      %add3A_196 = vector.broadcast %add3A_195 : i32 to vector<16xi32>
      %add3A_197 = arith.addi %iota3A_194, %add3A_196 : vector<16xi32>
      %broadcast_in_dim3A_198 = vector.broadcast %sub3A_181 : i32 to vector<16xi32>
      %gather3A_199 = tpu.vector_load_idx %arg6[%add3A_197, %broadcast_in_dim3A_198] : memref<64x128xf32, #tpu.memory_space<vmem>>[vector<16xi32>, vector<16xi32>], vector<16xf32>,
      %iota3A_200 = tpu.iota {dimensions = array<i32: 0>} : vector<16xi32>
      %mul3A_201 = arith.constant 64 : i32
      %mul3A_202 = arith.muli %mul3A_14, %mul3A_201 : i32
      %add3A_203 = arith.constant 16 : i32
      %add3A_204 = arith.addi %mul3A_202, %add3A_203 : i32
      %add3A_205 = vector.broadcast %add3A_204 : i32 to vector<16xi32>
      %add3A_206 = arith.addi %iota3A_200, %add3A_205 : vector<16xi32>
      tpu.vector_store_idx %arg8[%add3A_206], %gather3A_199 : memref<2048xf32, #tpu.memory_space<vmem>>[vector<16xi32>], vector<16xf32>,
      %iota3A_207 = tpu.iota {dimensions = array<i32: 0>} : vector<16xi32>
      %add3A_208 = arith.constant 32 : i32
      %add3A_209 = vector.broadcast %add3A_208 : i32 to vector<16xi32>
      %add3A_210 = arith.addi %iota3A_207, %add3A_209 : vector<16xi32>
      %broadcast_in_dim3A_211 = vector.broadcast %sub3A_181 : i32 to vector<16xi32>
      %gather3A_212 = tpu.vector_load_idx %arg6[%add3A_210, %broadcast_in_dim3A_211] : memref<64x128xf32, #tpu.memory_space<vmem>>[vector<16xi32>, vector<16xi32>], vector<16xf32>,
      %iota3A_213 = tpu.iota {dimensions = array<i32: 0>} : vector<16xi32>
      %mul3A_214 = arith.constant 64 : i32
      %mul3A_215 = arith.muli %mul3A_14, %mul3A_214 : i32
      %add3A_216 = arith.constant 32 : i32
      %add3A_217 = arith.addi %mul3A_215, %add3A_216 : i32
      %add3A_218 = vector.broadcast %add3A_217 : i32 to vector<16xi32>
      %add3A_219 = arith.addi %iota3A_213, %add3A_218 : vector<16xi32>
      tpu.vector_store_idx %arg8[%add3A_219], %gather3A_212 : memref<2048xf32, #tpu.memory_space<vmem>>[vector<16xi32>], vector<16xf32>,
      %iota3A_220 = tpu.iota {dimensions = array<i32: 0>} : vector<16xi32>
      %add3A_221 = arith.constant 48 : i32
      %add3A_222 = vector.broadcast %add3A_221 : i32 to vector<16xi32>
      %add3A_223 = arith.addi %iota3A_220, %add3A_222 : vector<16xi32>
      %broadcast_in_dim3A_224 = vector.broadcast %sub3A_181 : i32 to vector<16xi32>
      %gather3A_225 = tpu.vector_load_idx %arg6[%add3A_223, %broadcast_in_dim3A_224] : memref<64x128xf32, #tpu.memory_space<vmem>>[vector<16xi32>, vector<16xi32>], vector<16xf32>,
      %iota3A_226 = tpu.iota {dimensions = array<i32: 0>} : vector<16xi32>
      %mul3A_227 = arith.constant 64 : i32
      %mul3A_228 = arith.muli %mul3A_14, %mul3A_227 : i32
      %add3A_229 = arith.constant 48 : i32
      %add3A_230 = arith.addi %mul3A_228, %add3A_229 : i32
      %add3A_231 = vector.broadcast %add3A_230 : i32 to vector<16xi32>
      %add3A_232 = arith.addi %iota3A_226, %add3A_231 : vector<16xi32>
      tpu.vector_store_idx %arg8[%add3A_232], %gather3A_225 : memref<2048xf32, #tpu.memory_space<vmem>>[vector<16xi32>], vector<16xf32>,
      %dma_wait3A_233 = arith.constant 0 : i32
      %dma_wait3A_234 = tpu.memref_slice %arg2[%dma_wait3A_233, %multiple_of3A_170] : memref<64x1000000xf32, #tpu.memory_space<hbm>> -> memref<64x128xf32, #tpu.memory_space<hbm>>
      %dma_wait3A_235 = arith.constant 0 : i32
      %dma_wait3A_236 = tpu.memref_slice %arg2[%dma_wait3A_235, %multiple_of3A_170] : memref<64x1000000xf32, #tpu.memory_space<hbm>> -> memref<64x128xf32, #tpu.memory_space<hbm>>
      tpu.wait_dma2 semaphore(%arg10 : memref<!tpu.dma_semaphore, #tpu.memory_space<semaphore_mem>>) src(%dma_wait3A_236 : memref<64x128xf32, #tpu.memory_space<hbm>>) dst(%arg7 : memref<64x128xf32, #tpu.memory_space<vmem>>)
      %sub3A_237 = arith.subi %reduce_max3A_117, %multiple_of3A_170 : i32
      %iota3A_238 = tpu.iota {dimensions = array<i32: 0>} : vector<16xi32>
      %add3A_239 = arith.constant 0 : i32
      %add3A_240 = vector.broadcast %add3A_239 : i32 to vector<16xi32>
      %add3A_241 = arith.addi %iota3A_238, %add3A_240 : vector<16xi32>
      %broadcast_in_dim3A_242 = vector.broadcast %sub3A_237 : i32 to vector<16xi32>
      %gather3A_243 = tpu.vector_load_idx %arg7[%add3A_241, %broadcast_in_dim3A_242] : memref<64x128xf32, #tpu.memory_space<vmem>>[vector<16xi32>, vector<16xi32>], vector<16xf32>,
      %iota3A_244 = tpu.iota {dimensions = array<i32: 0>} : vector<16xi32>
      %mul3A_245 = arith.constant 64 : i32
      %mul3A_246 = arith.muli %add3A_16, %mul3A_245 : i32
      %add3A_247 = arith.constant 0 : i32
      %add3A_248 = arith.addi %mul3A_246, %add3A_247 : i32
      %add3A_249 = vector.broadcast %add3A_248 : i32 to vector<16xi32>
      %add3A_250 = arith.addi %iota3A_244, %add3A_249 : vector<16xi32>
      tpu.vector_store_idx %arg8[%add3A_250], %gather3A_243 : memref<2048xf32, #tpu.memory_space<vmem>>[vector<16xi32>], vector<16xf32>,
      %iota3A_251 = tpu.iota {dimensions = array<i32: 0>} : vector<16xi32>
      %add3A_252 = arith.constant 16 : i32
      %add3A_253 = vector.broadcast %add3A_252 : i32 to vector<16xi32>
      %add3A_254 = arith.addi %iota3A_251, %add3A_253 : vector<16xi32>
      %broadcast_in_dim3A_255 = vector.broadcast %sub3A_237 : i32 to vector<16xi32>
      %gather3A_256 = tpu.vector_load_idx %arg7[%add3A_254, %broadcast_in_dim3A_255] : memref<64x128xf32, #tpu.memory_space<vmem>>[vector<16xi32>, vector<16xi32>], vector<16xf32>,
      %iota3A_257 = tpu.iota {dimensions = array<i32: 0>} : vector<16xi32>
      %mul3A_258 = arith.constant 64 : i32
      %mul3A_259 = arith.muli %add3A_16, %mul3A_258 : i32
      %add3A_260 = arith.constant 16 : i32
      %add3A_261 = arith.addi %mul3A_259, %add3A_260 : i32
      %add3A_262 = vector.broadcast %add3A_261 : i32 to vector<16xi32>
      %add3A_263 = arith.addi %iota3A_257, %add3A_262 : vector<16xi32>
      tpu.vector_store_idx %arg8[%add3A_263], %gather3A_256 : memref<2048xf32, #tpu.memory_space<vmem>>[vector<16xi32>], vector<16xf32>,
      %iota3A_264 = tpu.iota {dimensions = array<i32: 0>} : vector<16xi32>
      %add3A_265 = arith.constant 32 : i32
      %add3A_266 = vector.broadcast %add3A_265 : i32 to vector<16xi32>
      %add3A_267 = arith.addi %iota3A_264, %add3A_266 : vector<16xi32>
      %broadcast_in_dim3A_268 = vector.broadcast %sub3A_237 : i32 to vector<16xi32>
      %gather3A_269 = tpu.vector_load_idx %arg7[%add3A_267, %broadcast_in_dim3A_268] : memref<64x128xf32, #tpu.memory_space<vmem>>[vector<16xi32>, vector<16xi32>], vector<16xf32>,
      %iota3A_270 = tpu.iota {dimensions = array<i32: 0>} : vector<16xi32>
      %mul3A_271 = arith.constant 64 : i32
      %mul3A_272 = arith.muli %add3A_16, %mul3A_271 : i32
      %add3A_273 = arith.constant 32 : i32
      %add3A_274 = arith.addi %mul3A_272, %add3A_273 : i32
      %add3A_275 = vector.broadcast %add3A_274 : i32 to vector<16xi32>
      %add3A_276 = arith.addi %iota3A_270, %add3A_275 : vector<16xi32>
      tpu.vector_store_idx %arg8[%add3A_276], %gather3A_269 : memref<2048xf32, #tpu.memory_space<vmem>>[vector<16xi32>], vector<16xf32>,
      %iota3A_277 = tpu.iota {dimensions = array<i32: 0>} : vector<16xi32>
      %add3A_278 = arith.constant 48 : i32
      %add3A_279 = vector.broadcast %add3A_278 : i32 to vector<16xi32>
      %add3A_280 = arith.addi %iota3A_277, %add3A_279 : vector<16xi32>
      %broadcast_in_dim3A_281 = vector.broadcast %sub3A_237 : i32 to vector<16xi32>
      %gather3A_282 = tpu.vector_load_idx %arg7[%add3A_280, %broadcast_in_dim3A_281] : memref<64x128xf32, #tpu.memory_space<vmem>>[vector<16xi32>, vector<16xi32>], vector<16xf32>,
      %iota3A_283 = tpu.iota {dimensions = array<i32: 0>} : vector<16xi32>
      %mul3A_284 = arith.constant 64 : i32
      %mul3A_285 = arith.muli %add3A_16, %mul3A_284 : i32
      %add3A_286 = arith.constant 48 : i32
      %add3A_287 = arith.addi %mul3A_285, %add3A_286 : i32
      %add3A_288 = vector.broadcast %add3A_287 : i32 to vector<16xi32>
      %add3A_289 = arith.addi %iota3A_283, %add3A_288 : vector<16xi32>
      tpu.vector_store_idx %arg8[%add3A_289], %gather3A_282 : memref<2048xf32, #tpu.memory_space<vmem>>[vector<16xi32>], vector<16xf32>,
    }
    %scan3A_7 = arith.constant 16 : i32
    %mul3A_8 = arith.constant 32 : i32
    %mul3A_9 = arith.muli %add3A, %mul3A_8 : i32
    %mul3A_10 = arith.constant 64 : i32
    %mul3A_11 = arith.muli %mul3A_9, %mul3A_10 : i32
    "tpu.region"() ({
      %run_scoped3A = tpu.sem_alloc : memref<!tpu.dma_semaphore, #tpu.memory_space<semaphore_mem>>
      %dma_start3A = tpu.memref_slice %arg4[%mul3A_11] : memref<65536xf32, #tpu.memory_space<hbm>> -> memref<2048xf32, #tpu.memory_space<hbm>>
      %dma_start3A_12 = tpu.memref_slice %arg4[%mul3A_11] : memref<65536xf32, #tpu.memory_space<hbm>> -> memref<2048xf32, #tpu.memory_space<hbm>>
      tpu.enqueue_dma source(%arg8 : memref<2048xf32, #tpu.memory_space<vmem>>) target(%dma_start3A_12 : memref<2048xf32, #tpu.memory_space<hbm>>) target_semaphore(%run_scoped3A : memref<!tpu.dma_semaphore, #tpu.memory_space<semaphore_mem>>)
      %dma_wait3A = tpu.memref_slice %arg4[%mul3A_11] : memref<65536xf32, #tpu.memory_space<hbm>> -> memref<2048xf32, #tpu.memory_space<hbm>>
      %dma_wait3A_13 = tpu.memref_slice %arg4[%mul3A_11] : memref<65536xf32, #tpu.memory_space<hbm>> -> memref<2048xf32, #tpu.memory_space<hbm>>
      tpu.wait_dma2 semaphore(%run_scoped3A : memref<!tpu.dma_semaphore, #tpu.memory_space<semaphore_mem>>) src(%arg8 : memref<2048xf32, #tpu.memory_space<vmem>>) dst(%dma_wait3A_13 : memref<2048xf32, #tpu.memory_space<hbm>>)
      tpu.yield
    }) : () -> ()
    return
  }
}

module attributes {stable_mosaic.version = 14 : i64} {
  func.func @body(%arg0: i32, %arg1: memref<64x8192xf32, #tpu.memory_space<vmem>>, %arg2: memref<64x8192xf32, #tpu.memory_space<vmem>>, %arg3: memref<64x8192xf32, #tpu.memory_space<vmem>>, %arg4: memref<64x8192xf32, #tpu.memory_space<vmem>>, %arg5: memref<64x64xf32, #tpu.memory_space<vmem>>, %arg6: memref<8192x128xi32, #tpu.memory_space<vmem>>) attributes {dimension_semantics = [#tpu.dimension_semantics<parallel>], iteration_bounds = array<i64: 32>, scalar_prefetch = 0 : i64, scratch_operands = 0 : i64, tpu.core_type = #tpu.core_type<tc>, window_params = [{transform_indices = @transform_0, window_bounds = array<i64: 64, 8192>}, {transform_indices = @transform_1, window_bounds = array<i64: 64, 8192>}, {transform_indices = @transform_2, window_bounds = array<i64: 64, 8192>}, {transform_indices = @transform_3, window_bounds = array<i64: 64, 8192>}, {pipeline_mode = #tpu.pipeline_mode<synchronous>, transform_indices = @transform_4, window_bounds = array<i64: 64, 64>}, {transform_indices = @transform_5, window_bounds = array<i64: 8192, 128>}]} {
    %get3A = arith.constant 0 : index
    %get3A_0 = arith.constant 0 : index
    %get3A_1 = vector.load %arg5[%get3A, %get3A_0] : memref<64x64xf32, #tpu.memory_space<vmem>>, vector<64x64xf32>
    %convert_element_type3A = arith.truncf %get3A_1 : vector<64x64xf32> to vector<64x64xbf16>
    %get3A_2 = arith.constant 0 : index
    %get3A_3 = arith.constant 0 : index
    %get3A_4 = vector.load %arg1[%get3A_2, %get3A_3] : memref<64x8192xf32, #tpu.memory_space<vmem>>, vector<64x8192xf32>
    %convert_element_type3A_5 = arith.truncf %get3A_4 : vector<64x8192xf32> to vector<64x8192xbf16>
    %dot_general3A = arith.constant dense<0.000000e+00> : vector<8192x64xf32>
    %dot_general3A_6 = tpu.matmul %convert_element_type3A_5, %convert_element_type3A, %dot_general3A {dimension_numbers = #tpu.dot_dimension_numbers<[0], [1], [1], [0], [0, 1, 1, 0], [], []>, transpose_lhs_hint = false} : vector<64x8192xbf16>, vector<64x64xbf16>, vector<8192x64xf32> -> vector<8192x64xf32>
    %convert_element_type3A_7 = arith.truncf %dot_general3A_6 : vector<8192x64xf32> to vector<8192x64xbf16>
    %get3A_8 = arith.constant 0 : index
    %get3A_9 = arith.constant 0 : index
    %get3A_10 = vector.load %arg2[%get3A_8, %get3A_9] : memref<64x8192xf32, #tpu.memory_space<vmem>>, vector<64x8192xf32>
    %convert_element_type3A_11 = arith.truncf %get3A_10 : vector<64x8192xf32> to vector<64x8192xbf16>
    %dot_general3A_12 = arith.constant dense<0.000000e+00> : vector<8192x64xf32>
    %dot_general3A_13 = tpu.matmul %convert_element_type3A_11, %convert_element_type3A, %dot_general3A_12 {dimension_numbers = #tpu.dot_dimension_numbers<[0], [1], [1], [0], [0, 1, 1, 0], [], []>, transpose_lhs_hint = false} : vector<64x8192xbf16>, vector<64x64xbf16>, vector<8192x64xf32> -> vector<8192x64xf32>
    %convert_element_type3A_14 = arith.truncf %dot_general3A_13 : vector<8192x64xf32> to vector<8192x64xbf16>
    %bitcast_convert_type3A = tpu.bitcast %convert_element_type3A_7 : vector<8192x64xbf16> -> vector<8192x64xi16>
    %convert_element_type3A_15 = arith.extui %bitcast_convert_type3A : vector<8192x64xi16> to vector<8192x64xi32>
    %bitcast_convert_type3A_16 = tpu.bitcast %convert_element_type3A_14 : vector<8192x64xbf16> -> vector<8192x64xi16>
    %convert_element_type3A_17 = arith.extui %bitcast_convert_type3A_16 : vector<8192x64xi16> to vector<8192x64xi32>
    %shift_left3A = arith.constant 16 : i32
    %shift_left3A_18 = vector.broadcast %shift_left3A : i32 to vector<8192x64xi32>
    %shift_left3A_19 = arith.shli %convert_element_type3A_17, %shift_left3A_18 : vector<8192x64xi32>
    %or3A = arith.ori %shift_left3A_19, %convert_element_type3A_15 : vector<8192x64xi32>
    %bitcast_convert_type3A_20 = tpu.bitcast %or3A : vector<8192x64xi32> -> vector<8192x64xi32>
    %get3A_21 = arith.constant 0 : index
    %get3A_22 = arith.constant 0 : index
    %get3A_23 = vector.load %arg3[%get3A_21, %get3A_22] : memref<64x8192xf32, #tpu.memory_space<vmem>>, vector<64x8192xf32>
    %convert_element_type3A_24 = arith.truncf %get3A_23 : vector<64x8192xf32> to vector<64x8192xbf16>
    %dot_general3A_25 = arith.constant dense<0.000000e+00> : vector<8192x64xf32>
    %dot_general3A_26 = tpu.matmul %convert_element_type3A_24, %convert_element_type3A, %dot_general3A_25 {dimension_numbers = #tpu.dot_dimension_numbers<[0], [1], [1], [0], [0, 1, 1, 0], [], []>, transpose_lhs_hint = false} : vector<64x8192xbf16>, vector<64x64xbf16>, vector<8192x64xf32> -> vector<8192x64xf32>
    %convert_element_type3A_27 = arith.truncf %dot_general3A_26 : vector<8192x64xf32> to vector<8192x64xbf16>
    %get3A_28 = arith.constant 0 : index
    %get3A_29 = arith.constant 0 : index
    %get3A_30 = vector.load %arg4[%get3A_28, %get3A_29] : memref<64x8192xf32, #tpu.memory_space<vmem>>, vector<64x8192xf32>
    %convert_element_type3A_31 = arith.truncf %get3A_30 : vector<64x8192xf32> to vector<64x8192xbf16>
    %dot_general3A_32 = arith.constant dense<0.000000e+00> : vector<8192x64xf32>
    %dot_general3A_33 = tpu.matmul %convert_element_type3A_31, %convert_element_type3A, %dot_general3A_32 {dimension_numbers = #tpu.dot_dimension_numbers<[0], [1], [1], [0], [0, 1, 1, 0], [], []>, transpose_lhs_hint = false} : vector<64x8192xbf16>, vector<64x64xbf16>, vector<8192x64xf32> -> vector<8192x64xf32>
    %convert_element_type3A_34 = arith.truncf %dot_general3A_33 : vector<8192x64xf32> to vector<8192x64xbf16>
    %bitcast_convert_type3A_35 = tpu.bitcast %convert_element_type3A_27 : vector<8192x64xbf16> -> vector<8192x64xi16>
    %convert_element_type3A_36 = arith.extui %bitcast_convert_type3A_35 : vector<8192x64xi16> to vector<8192x64xi32>
    %bitcast_convert_type3A_37 = tpu.bitcast %convert_element_type3A_34 : vector<8192x64xbf16> -> vector<8192x64xi16>
    %convert_element_type3A_38 = arith.extui %bitcast_convert_type3A_37 : vector<8192x64xi16> to vector<8192x64xi32>
    %shift_left3A_39 = arith.constant 16 : i32
    %shift_left3A_40 = vector.broadcast %shift_left3A_39 : i32 to vector<8192x64xi32>
    %shift_left3A_41 = arith.shli %convert_element_type3A_38, %shift_left3A_40 : vector<8192x64xi32>
    %or3A_42 = arith.ori %shift_left3A_41, %convert_element_type3A_36 : vector<8192x64xi32>
    %bitcast_convert_type3A_43 = tpu.bitcast %or3A_42 : vector<8192x64xi32> -> vector<8192x64xi32>
    %concatenate3A = tpu.concatenate %bitcast_convert_type3A_20, %bitcast_convert_type3A_43 in 1 : vector<8192x64xi32>, vector<8192x64xi32> -> vector<8192x128xi32>
    %swap3A = arith.constant 0 : index
    %swap3A_44 = arith.constant 0 : index
    %swap3A_45 = vector.load %arg6[%swap3A, %swap3A_44] : memref<8192x128xi32, #tpu.memory_space<vmem>>, vector<8192x128xi32>
    tpu.vector_store %arg6[%swap3A, %swap3A_44], %concatenate3A {strides = array<i32>} : memref<8192x128xi32, #tpu.memory_space<vmem>>, vector<8192x128xi32>,
    return
  }
  func.func @transform_0(%arg0: i32) -> (i32, i32) {
    %c0_i32 = arith.constant 0 : i32
    %c0_i32_0 = arith.constant 0 : i32
    return %c0_i32, %arg0 : i32, i32
  }
  func.func @transform_1(%arg0: i32) -> (i32, i32) {
    %add3A = arith.constant 32 : i32
    %add3A_0 = arith.addi %arg0, %add3A : i32
    %c0_i32 = arith.constant 0 : i32
    %c0_i32_1 = arith.constant 0 : i32
    return %c0_i32, %add3A_0 : i32, i32
  }
  func.func @transform_2(%arg0: i32) -> (i32, i32) {
    %add3A = arith.constant 64 : i32
    %add3A_0 = arith.addi %arg0, %add3A : i32
    %min3A = arith.constant 122 : i32
    %min3A_1 = arith.minsi %add3A_0, %min3A : i32
    %c0_i32 = arith.constant 0 : i32
    %c0_i32_2 = arith.constant 0 : i32
    return %c0_i32, %min3A_1 : i32, i32
  }
  func.func @transform_3(%arg0: i32) -> (i32, i32) {
    %add3A = arith.constant 96 : i32
    %add3A_0 = arith.addi %arg0, %add3A : i32
    %min3A = arith.constant 122 : i32
    %min3A_1 = arith.minsi %add3A_0, %min3A : i32
    %c0_i32 = arith.constant 0 : i32
    %c0_i32_2 = arith.constant 0 : i32
    return %c0_i32, %min3A_1 : i32, i32
  }
  func.func @transform_4(%arg0: i32) -> (i32, i32) {
    %c0_i32 = arith.constant 0 : i32
    %c0_i32_0 = arith.constant 0 : i32
    %c0_i32_1 = arith.constant 0 : i32
    return %c0_i32, %c0_i32_0 : i32, i32
  }
  func.func @transform_5(%arg0: i32) -> (i32, i32) {
    %c0_i32 = arith.constant 0 : i32
    %c0_i32_0 = arith.constant 0 : i32
    return %arg0, %c0_i32 : i32, i32
  }
}

module attributes {stable_mosaic.version = 14 : i64} {
  func.func @_tc_body(%arg0: i32, %arg1: memref<6400x128xi32, #tpu.memory_space<vmem>>, %arg2: memref<6400x1xi32, #tpu.memory_space<vmem>>, %arg3: memref<6400x1xi32, #tpu.memory_space<vmem>>, %arg4: memref<128x64xf32, #tpu.memory_space<vmem>>, %arg5: memref<5x64xf32, #tpu.memory_space<vmem>>, %arg6: memref<64x128xf32, #tpu.memory_space<vmem>>, %arg7: memref<1x64xf32, #tpu.memory_space<vmem>>, %arg8: memref<64x64xf32, #tpu.memory_space<vmem>>, %arg9: memref<1x64xf32, #tpu.memory_space<vmem>>, %arg10: memref<64x128xf32, #tpu.memory_space<vmem>>, %arg11: memref<1x64xf32, #tpu.memory_space<vmem>>, %arg12: memref<64x64xf32, #tpu.memory_space<vmem>>, %arg13: memref<1x64xf32, #tpu.memory_space<vmem>>, %arg14: memref<1x64xf32, #tpu.memory_space<vmem>>, %arg15: memref<1x1xf32, #tpu.memory_space<vmem>>, %arg16: memref<128x64xf32, #tpu.memory_space<vmem>>) attributes {dimension_semantics = [#tpu.dimension_semantics<parallel>], iteration_bounds = array<i64: 8>, scalar_prefetch = 0 : i64, scratch_operands = 0 : i64, tpu.core_type = #tpu.core_type<tc>, window_params = [{transform_indices = @transform_0, window_bounds = array<i64: 6400, 128>}, {transform_indices = @transform_1, window_bounds = array<i64: 6400, 1>}, {transform_indices = @transform_2, window_bounds = array<i64: 6400, 1>}, {transform_indices = @transform_3, window_bounds = array<i64: 128, 64>}, {pipeline_mode = #tpu.pipeline_mode<synchronous>, transform_indices = @transform_4, window_bounds = array<i64: 5, 64>}, {pipeline_mode = #tpu.pipeline_mode<synchronous>, transform_indices = @transform_5, window_bounds = array<i64: 64, 128>}, {pipeline_mode = #tpu.pipeline_mode<synchronous>, transform_indices = @transform_6, window_bounds = array<i64: 1, 64>}, {pipeline_mode = #tpu.pipeline_mode<synchronous>, transform_indices = @transform_7, window_bounds = array<i64: 64, 64>}, {pipeline_mode = #tpu.pipeline_mode<synchronous>, transform_indices = @transform_8, window_bounds = array<i64: 1, 64>}, {pipeline_mode = #tpu.pipeline_mode<synchronous>, transform_indices = @transform_9, window_bounds = array<i64: 64, 128>}, {pipeline_mode = #tpu.pipeline_mode<synchronous>, transform_indices = @transform_10, window_bounds = array<i64: 1, 64>}, {pipeline_mode = #tpu.pipeline_mode<synchronous>, transform_indices = @transform_11, window_bounds = array<i64: 64, 64>}, {pipeline_mode = #tpu.pipeline_mode<synchronous>, transform_indices = @transform_12, window_bounds = array<i64: 1, 64>}, {pipeline_mode = #tpu.pipeline_mode<synchronous>, transform_indices = @transform_13, window_bounds = array<i64: 1, 64>}, {pipeline_mode = #tpu.pipeline_mode<synchronous>, transform_indices = @transform_14, window_bounds = array<i64: 1, 1>}, {transform_indices = @transform_15, window_bounds = array<i64: 128, 64>}]} {
    %get3A = arith.constant 0 : index
    %get3A_0 = arith.constant 0 : index
    %get3A_1 = vector.load %arg1[%get3A, %get3A_0] : memref<6400x128xi32, #tpu.memory_space<vmem>>, vector<6400x128xi32>
    %get3A_2 = arith.constant 0 : index
    %get3A_3 = arith.constant 0 : index
    %get3A_4 = vector.load %arg2[%get3A_2, %get3A_3] : memref<6400x1xi32, #tpu.memory_space<vmem>>, vector<6400x1xi32>
    %le3A = arith.constant 1 : i32
    %le3A_5 = vector.broadcast %le3A : i32 to vector<6400x1xi32>
    %le3A_6 = arith.cmpi sle, %get3A_4, %le3A_5 : vector<6400x1xi32>
    %slice3A = vector.extract_strided_slice %get3A_1 {offsets = [0, 0], sizes = [6400, 64], strides = [1, 1]} : vector<6400x128xi32> to vector<6400x64xi32>
    %slice3A_7 = vector.extract_strided_slice %get3A_1 {offsets = [0, 64], sizes = [6400, 64], strides = [1, 1]} : vector<6400x128xi32> to vector<6400x64xi32>
    %broadcast_in_dim3A = vector.shape_cast %le3A_6 : vector<6400x1xi1> to vector<6400x1xi1>
    %broadcast_in_dim3A_8 = vector.broadcast %broadcast_in_dim3A : vector<6400x1xi1> to vector<6400x64xi1>
    %select_n3A = arith.select %broadcast_in_dim3A_8, %slice3A, %slice3A_7 : vector<6400x64xi1>, vector<6400x64xi32>
    %jit3A = arith.constant 2 : i32
    %eq3A = arith.constant 0 : i32
    %eq3A_9 = arith.cmpi eq, %jit3A, %eq3A : i32
    %jit3A_10 = arith.constant 1 : i32
    %select_n3A_11 = arith.select %eq3A_9, %jit3A_10, %jit3A : i32
    %rem3A = vector.broadcast %select_n3A_11 : i32 to vector<6400x1xi32>
    %rem3A_12 = arith.remsi %get3A_4, %rem3A : vector<6400x1xi32>
    %ne3A = arith.constant 0 : i32
    %ne3A_13 = vector.broadcast %ne3A : i32 to vector<6400x1xi32>
    %ne3A_14 = arith.cmpi ne, %rem3A_12, %ne3A_13 : vector<6400x1xi32>
    %lt3A = arith.constant 0 : i32
    %lt3A_15 = vector.broadcast %lt3A : i32 to vector<6400x1xi32>
    %lt3A_16 = arith.cmpi slt, %rem3A_12, %lt3A_15 : vector<6400x1xi32>
    %lt3A_17 = arith.constant 0 : i32
    %lt3A_18 = arith.cmpi slt, %select_n3A_11, %lt3A_17 : i32
    %ne3A_19 = vector.broadcast %lt3A_18 : i1 to vector<6400x1xi1>
    %ne3A_20 = vector.broadcast %ne3A_19 : vector<6400x1xi1> to vector<6400x1xi1>
    %ne3A_21 = arith.xori %lt3A_16, %ne3A_20 : vector<6400x1xi1>
    %and3A = arith.andi %ne3A_21, %ne3A_14 : vector<6400x1xi1>
    %add3A = vector.broadcast %select_n3A_11 : i32 to vector<6400x1xi32>
    %add3A_22 = arith.addi %rem3A_12, %add3A : vector<6400x1xi32>
    %select_n3A_23 = arith.select %and3A, %add3A_22, %rem3A_12 : vector<6400x1xi1>, vector<6400x1xi32>
    %eq3A_24 = arith.constant 0 : i32
    %eq3A_25 = vector.broadcast %eq3A_24 : i32 to vector<6400x1xi32>
    %eq3A_26 = arith.cmpi eq, %select_n3A_23, %eq3A_25 : vector<6400x1xi32>
    %shift_left3A = arith.constant 16 : i32
    %shift_left3A_27 = vector.broadcast %shift_left3A : i32 to vector<6400x64xi32>
    %shift_left3A_28 = arith.shli %select_n3A, %shift_left3A_27 : vector<6400x64xi32>
    %broadcast_in_dim3A_29 = vector.shape_cast %eq3A_26 : vector<6400x1xi1> to vector<6400x1xi1>
    %broadcast_in_dim3A_30 = vector.broadcast %broadcast_in_dim3A_29 : vector<6400x1xi1> to vector<6400x64xi1>
    %select_n3A_31 = arith.select %broadcast_in_dim3A_30, %shift_left3A_28, %select_n3A : vector<6400x64xi1>, vector<6400x64xi32>
    %and3A_32 = arith.constant -65536 : i32
    %and3A_33 = vector.broadcast %and3A_32 : i32 to vector<6400x64xi32>
    %and3A_34 = arith.andi %select_n3A_31, %and3A_33 : vector<6400x64xi32>
    %bitcast_convert_type3A = tpu.bitcast %and3A_34 : vector<6400x64xi32> -> vector<6400x64xf32>
    %get3A_35 = arith.constant 0 : index
    %get3A_36 = arith.constant 0 : index
    %get3A_37 = vector.load %arg6[%get3A_35, %get3A_36] : memref<64x128xf32, #tpu.memory_space<vmem>>, vector<64x128xf32>
    %get3A_38 = arith.constant 0 : index
    %get3A_39 = arith.constant 0 : index
    %get3A_40 = vector.load %arg5[%get3A_38, %get3A_39] : memref<5x64xf32, #tpu.memory_space<vmem>>, vector<5x64xf32>
    %slice3A_41 = vector.extract_strided_slice %get3A_37 {offsets = [0, 64], sizes = [64, 64], strides = [1, 1]} : vector<64x128xf32> to vector<64x64xf32>
    %dot_general3A = arith.constant dense<0.000000e+00> : vector<5x64xf32>
    %dot_general3A_42 = tpu.matmul %get3A_40, %slice3A_41, %dot_general3A {dimension_numbers = #tpu.dot_dimension_numbers<[1], [1], [0], [0], [0, 0, 1, 0], [], []>, transpose_lhs_hint = false} : vector<5x64xf32>, vector<64x64xf32>, vector<5x64xf32> -> vector<5x64xf32>
    %get3A_43 = arith.constant 0 : index
    %get3A_44 = arith.constant 0 : index
    %get3A_45 = vector.load %arg3[%get3A_43, %get3A_44] : memref<6400x1xi32, #tpu.memory_space<vmem>>, vector<6400x1xi32>
    %iota3A = tpu.iota {dimensions = array<i32: 1>} : vector<1x8xi32>
    %eq3A_46 = vector.broadcast %get3A_45 : vector<6400x1xi32> to vector<6400x8xi32>
    %eq3A_47 = vector.broadcast %iota3A : vector<1x8xi32> to vector<6400x8xi32>
    %eq3A_48 = arith.cmpi eq, %eq3A_46, %eq3A_47 : vector<6400x8xi32>
    %broadcast_in_dim3A_49 = arith.constant 0.000000e+00 : f32
    %broadcast_in_dim3A_50 = vector.broadcast %broadcast_in_dim3A_49 : f32 to vector<3x64xf32>
    %concatenate3A = tpu.concatenate %dot_general3A_42, %broadcast_in_dim3A_50 in 0 : vector<5x64xf32>, vector<3x64xf32> -> vector<8x64xf32>
    %convert_element_type3A = arith.extui %eq3A_48 : vector<6400x8xi1> to vector<6400x8xi32>
    %convert_element_type3A_51 = arith.sitofp %convert_element_type3A : vector<6400x8xi32> to vector<6400x8xf32>
    %dot_general3A_52 = arith.constant dense<0.000000e+00> : vector<6400x64xf32>
    %dot_general3A_53 = tpu.matmul %convert_element_type3A_51, %concatenate3A, %dot_general3A_52 {dimension_numbers = #tpu.dot_dimension_numbers<[1], [0], [0], [1], [0, 0, 1, 1], [], []>, transpose_lhs_hint = false} : vector<6400x8xf32>, vector<8x64xf32>, vector<6400x64xf32> -> vector<6400x64xf32>
    %add3A_54 = arith.addf %bitcast_convert_type3A, %dot_general3A_53 : vector<6400x64xf32>
    %get3A_55 = arith.constant 0 : index
    %get3A_56 = arith.constant 0 : index
    %get3A_57 = vector.load %arg7[%get3A_55, %get3A_56] : memref<1x64xf32, #tpu.memory_space<vmem>>, vector<1x64xf32>
    %add3A_58 = vector.broadcast %get3A_57 : vector<1x64xf32> to vector<6400x64xf32>
    %add3A_59 = arith.addf %add3A_54, %add3A_58 : vector<6400x64xf32>
    %max3A = arith.constant 0.000000e+00 : f32
    %max3A_60 = vector.broadcast %max3A : f32 to vector<6400x64xf32>
    %max3A_61 = arith.maximumf %add3A_59, %max3A_60 : vector<6400x64xf32>
    %get3A_62 = arith.constant 0 : index
    %get3A_63 = arith.constant 0 : index
    %get3A_64 = vector.load %arg8[%get3A_62, %get3A_63] : memref<64x64xf32, #tpu.memory_space<vmem>>, vector<64x64xf32>
    %dot_general3A_65 = arith.constant dense<0.000000e+00> : vector<6400x64xf32>
    %dot_general3A_66 = tpu.matmul %max3A_61, %get3A_64, %dot_general3A_65 {dimension_numbers = #tpu.dot_dimension_numbers<[1], [1], [0], [0], [0, 0, 1, 0], [], []>, transpose_lhs_hint = false} : vector<6400x64xf32>, vector<64x64xf32>, vector<6400x64xf32> -> vector<6400x64xf32>
    %get3A_67 = arith.constant 0 : index
    %get3A_68 = arith.constant 0 : index
    %get3A_69 = vector.load %arg9[%get3A_67, %get3A_68] : memref<1x64xf32, #tpu.memory_space<vmem>>, vector<1x64xf32>
    %add3A_70 = vector.broadcast %get3A_69 : vector<1x64xf32> to vector<6400x64xf32>
    %add3A_71 = arith.addf %dot_general3A_66, %add3A_70 : vector<6400x64xf32>
    %max3A_72 = arith.constant 0.000000e+00 : f32
    %max3A_73 = vector.broadcast %max3A_72 : f32 to vector<6400x64xf32>
    %max3A_74 = arith.maximumf %add3A_71, %max3A_73 : vector<6400x64xf32>
    %get3A_75 = arith.constant 0 : index
    %get3A_76 = arith.constant 0 : index
    %get3A_77 = vector.load %arg10[%get3A_75, %get3A_76] : memref<64x128xf32, #tpu.memory_space<vmem>>, vector<64x128xf32>
    %get3A_78 = arith.constant 0 : index
    %get3A_79 = arith.constant 0 : index
    %get3A_80 = vector.load %arg4[%get3A_78, %get3A_79] : memref<128x64xf32, #tpu.memory_space<vmem>>, vector<128x64xf32>
    %slice3A_81 = vector.extract_strided_slice %get3A_77 {offsets = [0, 64], sizes = [64, 64], strides = [1, 1]} : vector<64x128xf32> to vector<64x64xf32>
    %dot_general3A_82 = arith.constant dense<0.000000e+00> : vector<128x64xf32>
    %dot_general3A_83 = tpu.matmul %get3A_80, %slice3A_81, %dot_general3A_82 {dimension_numbers = #tpu.dot_dimension_numbers<[1], [1], [0], [0], [0, 0, 1, 0], [], []>, transpose_lhs_hint = false} : vector<128x64xf32>, vector<64x64xf32>, vector<128x64xf32> -> vector<128x64xf32>
    %iota3A_84 = tpu.iota {dimensions = array<i32: 0>} : vector<6400x128xi32>
    %jit3A_85 = arith.constant 50 : i32
    %div3A = vector.broadcast %jit3A_85 : i32 to vector<6400x128xi32>
    %div3A_86 = arith.divsi %iota3A_84, %div3A : vector<6400x128xi32>
    %sign3A = arith.constant 0 : i32
    %sign3A_87 = vector.broadcast %sign3A : i32 to vector<6400x128xi32>
    %sign3A_88 = arith.cmpi sgt, %iota3A_84, %sign3A_87 : vector<6400x128xi32>
    %sign3A_89 = arith.extui %sign3A_88 : vector<6400x128xi1> to vector<6400x128xi32>
    %sign3A_90 = arith.constant 0 : i32
    %sign3A_91 = vector.broadcast %sign3A_90 : i32 to vector<6400x128xi32>
    %sign3A_92 = arith.cmpi slt, %iota3A_84, %sign3A_91 : vector<6400x128xi32>
    %sign3A_93 = arith.extui %sign3A_92 : vector<6400x128xi1> to vector<6400x128xi32>
    %sign3A_94 = arith.subi %sign3A_89, %sign3A_93 : vector<6400x128xi32>
    %sign3A_95 = arith.constant 0 : i32
    %sign3A_96 = arith.cmpi sgt, %jit3A_85, %sign3A_95 : i32
    %sign3A_97 = arith.extui %sign3A_96 : i1 to i32
    %sign3A_98 = arith.constant 0 : i32
    %sign3A_99 = arith.cmpi slt, %jit3A_85, %sign3A_98 : i32
    %sign3A_100 = arith.extui %sign3A_99 : i1 to i32
    %sign3A_101 = arith.subi %sign3A_97, %sign3A_100 : i32
    %ne3A_102 = vector.broadcast %sign3A_101 : i32 to vector<6400x128xi32>
    %ne3A_103 = arith.cmpi ne, %sign3A_94, %ne3A_102 : vector<6400x128xi32>
    %rem3A_104 = vector.broadcast %jit3A_85 : i32 to vector<6400x128xi32>
    %rem3A_105 = arith.remsi %iota3A_84, %rem3A_104 : vector<6400x128xi32>
    %ne3A_106 = arith.constant 0 : i32
    %ne3A_107 = vector.broadcast %ne3A_106 : i32 to vector<6400x128xi32>
    %ne3A_108 = arith.cmpi ne, %rem3A_105, %ne3A_107 : vector<6400x128xi32>
    %and3A_109 = arith.andi %ne3A_103, %ne3A_108 : vector<6400x128xi1>
    %sub3A = arith.constant 1 : i32
    %sub3A_110 = vector.broadcast %sub3A : i32 to vector<6400x128xi32>
    %sub3A_111 = arith.subi %div3A_86, %sub3A_110 : vector<6400x128xi32>
    %select_n3A_112 = arith.select %and3A_109, %sub3A_111, %div3A_86 : vector<6400x128xi1>, vector<6400x128xi32>
    %iota3A_113 = tpu.iota {dimensions = array<i32: 1>} : vector<6400x128xi32>
    %eq3A_114 = arith.cmpi eq, %select_n3A_112, %iota3A_113 : vector<6400x128xi32>
    %convert_element_type3A_115 = arith.extui %eq3A_114 : vector<6400x128xi1> to vector<6400x128xi32>
    %convert_element_type3A_116 = arith.sitofp %convert_element_type3A_115 : vector<6400x128xi32> to vector<6400x128xf32>
    %slice3A_117 = vector.extract_strided_slice %get3A_77 {offsets = [0, 0], sizes = [64, 64], strides = [1, 1]} : vector<64x128xf32> to vector<64x64xf32>
    %dot_general3A_118 = arith.constant dense<0.000000e+00> : vector<6400x64xf32>
    %dot_general3A_119 = tpu.matmul %max3A_74, %slice3A_117, %dot_general3A_118 {dimension_numbers = #tpu.dot_dimension_numbers<[1], [1], [0], [0], [0, 0, 1, 0], [], []>, transpose_lhs_hint = false} : vector<6400x64xf32>, vector<64x64xf32>, vector<6400x64xf32> -> vector<6400x64xf32>
    %dot_general3A_120 = arith.constant dense<0.000000e+00> : vector<6400x64xf32>
    %dot_general3A_121 = tpu.matmul %convert_element_type3A_116, %dot_general3A_83, %dot_general3A_120 {dimension_numbers = #tpu.dot_dimension_numbers<[1], [0], [0], [1], [0, 0, 1, 1], [], []>, transpose_lhs_hint = false} : vector<6400x128xf32>, vector<128x64xf32>, vector<6400x64xf32> -> vector<6400x64xf32>
    %add3A_122 = arith.addf %dot_general3A_119, %dot_general3A_121 : vector<6400x64xf32>
    %get3A_123 = arith.constant 0 : index
    %get3A_124 = arith.constant 0 : index
    %get3A_125 = vector.load %arg11[%get3A_123, %get3A_124] : memref<1x64xf32, #tpu.memory_space<vmem>>, vector<1x64xf32>
    %add3A_126 = vector.broadcast %get3A_125 : vector<1x64xf32> to vector<6400x64xf32>
    %add3A_127 = arith.addf %add3A_122, %add3A_126 : vector<6400x64xf32>
    %max3A_128 = arith.constant 0.000000e+00 : f32
    %max3A_129 = vector.broadcast %max3A_128 : f32 to vector<6400x64xf32>
    %max3A_130 = arith.maximumf %add3A_127, %max3A_129 : vector<6400x64xf32>
    %get3A_131 = arith.constant 0 : index
    %get3A_132 = arith.constant 0 : index
    %get3A_133 = vector.load %arg12[%get3A_131, %get3A_132] : memref<64x64xf32, #tpu.memory_space<vmem>>, vector<64x64xf32>
    %dot_general3A_134 = arith.constant dense<0.000000e+00> : vector<6400x64xf32>
    %dot_general3A_135 = tpu.matmul %max3A_130, %get3A_133, %dot_general3A_134 {dimension_numbers = #tpu.dot_dimension_numbers<[1], [1], [0], [0], [0, 0, 1, 0], [], []>, transpose_lhs_hint = false} : vector<6400x64xf32>, vector<64x64xf32>, vector<6400x64xf32> -> vector<6400x64xf32>
    %get3A_136 = arith.constant 0 : index
    %get3A_137 = arith.constant 0 : index
    %get3A_138 = vector.load %arg13[%get3A_136, %get3A_137] : memref<1x64xf32, #tpu.memory_space<vmem>>, vector<1x64xf32>
    %add3A_139 = vector.broadcast %get3A_138 : vector<1x64xf32> to vector<6400x64xf32>
    %add3A_140 = arith.addf %dot_general3A_135, %add3A_139 : vector<6400x64xf32>
    %max3A_141 = arith.constant 0.000000e+00 : f32
    %max3A_142 = vector.broadcast %max3A_141 : f32 to vector<6400x64xf32>
    %max3A_143 = arith.maximumf %add3A_140, %max3A_142 : vector<6400x64xf32>
    %get3A_144 = arith.constant 0 : index
    %get3A_145 = arith.constant 0 : index
    %get3A_146 = vector.load %arg14[%get3A_144, %get3A_145] : memref<1x64xf32, #tpu.memory_space<vmem>>, vector<1x64xf32>
    %mul3A = vector.broadcast %get3A_146 : vector<1x64xf32> to vector<6400x64xf32>
    %mul3A_147 = arith.mulf %max3A_143, %mul3A : vector<6400x64xf32>
    %reduce_sum3A = arith.constant dense<0.000000e+00> : vector<6400xf32>
    %reduce_sum3A_148 = vector.multi_reduction <add>, %mul3A_147, %reduce_sum3A [1] : vector<6400x64xf32> to vector<6400xf32>
    %broadcast_in_dim3A_149 = vector.shape_cast %reduce_sum3A_148 : vector<6400xf32> to vector<6400x1xf32>
    %get3A_150 = arith.constant 0 : index
    %get3A_151 = arith.constant 0 : index
    %get3A_152 = vector.load %arg15[%get3A_150, %get3A_151] : memref<1x1xf32, #tpu.memory_space<vmem>>, vector<1x1xf32>
    %add3A_153 = vector.broadcast %get3A_152 : vector<1x1xf32> to vector<6400x1xf32>
    %add3A_154 = arith.addf %broadcast_in_dim3A_149, %add3A_153 : vector<6400x1xf32>
    %reduce_max3A = vector.shape_cast %add3A_154 : vector<6400x1xf32> to vector<1x6400x1xf32>
    %reduce_max3A_155 = arith.constant dense<0xFF800000> : vector<1xf32>
    %reduce_max3A_156 = vector.multi_reduction <maximumf>, %reduce_max3A, %reduce_max3A_155 [1, 2] : vector<1x6400x1xf32> to vector<1xf32>
    %reduce_max3A_157 = vector.shape_cast %reduce_max3A_156 : vector<1xf32> to vector<1x1x1xf32>
    %reduce_max3A_158 = vector.extract %reduce_max3A_157[0, 0, 0] : f32 from vector<1x1x1xf32>
    %sub3A_159 = vector.broadcast %reduce_max3A_158 : f32 to vector<6400x1xf32>
    %sub3A_160 = arith.subf %add3A_154, %sub3A_159 : vector<6400x1xf32>
    %exp3A = math.exp %sub3A_160 : vector<6400x1xf32>
    %iota3A_161 = tpu.iota {dimensions = array<i32: 0>} : vector<128x6400xi32>
    %iota3A_162 = tpu.iota {dimensions = array<i32: 1>} : vector<128x6400xi32>
    %jit3A_163 = arith.constant 50 : i32
    %div3A_164 = vector.broadcast %jit3A_163 : i32 to vector<128x6400xi32>
    %div3A_165 = arith.divsi %iota3A_162, %div3A_164 : vector<128x6400xi32>
    %sign3A_166 = arith.constant 0 : i32
    %sign3A_167 = vector.broadcast %sign3A_166 : i32 to vector<128x6400xi32>
    %sign3A_168 = arith.cmpi sgt, %iota3A_162, %sign3A_167 : vector<128x6400xi32>
    %sign3A_169 = arith.extui %sign3A_168 : vector<128x6400xi1> to vector<128x6400xi32>
    %sign3A_170 = arith.constant 0 : i32
    %sign3A_171 = vector.broadcast %sign3A_170 : i32 to vector<128x6400xi32>
    %sign3A_172 = arith.cmpi slt, %iota3A_162, %sign3A_171 : vector<128x6400xi32>
    %sign3A_173 = arith.extui %sign3A_172 : vector<128x6400xi1> to vector<128x6400xi32>
    %sign3A_174 = arith.subi %sign3A_169, %sign3A_173 : vector<128x6400xi32>
    %sign3A_175 = arith.constant 0 : i32
    %sign3A_176 = arith.cmpi sgt, %jit3A_163, %sign3A_175 : i32
    %sign3A_177 = arith.extui %sign3A_176 : i1 to i32
    %sign3A_178 = arith.constant 0 : i32
    %sign3A_179 = arith.cmpi slt, %jit3A_163, %sign3A_178 : i32
    %sign3A_180 = arith.extui %sign3A_179 : i1 to i32
    %sign3A_181 = arith.subi %sign3A_177, %sign3A_180 : i32
    %ne3A_182 = vector.broadcast %sign3A_181 : i32 to vector<128x6400xi32>
    %ne3A_183 = arith.cmpi ne, %sign3A_174, %ne3A_182 : vector<128x6400xi32>
    %rem3A_184 = vector.broadcast %jit3A_163 : i32 to vector<128x6400xi32>
    %rem3A_185 = arith.remsi %iota3A_162, %rem3A_184 : vector<128x6400xi32>
    %ne3A_186 = arith.constant 0 : i32
    %ne3A_187 = vector.broadcast %ne3A_186 : i32 to vector<128x6400xi32>
    %ne3A_188 = arith.cmpi ne, %rem3A_185, %ne3A_187 : vector<128x6400xi32>
    %and3A_189 = arith.andi %ne3A_183, %ne3A_188 : vector<128x6400xi1>
    %sub3A_190 = arith.constant 1 : i32
    %sub3A_191 = vector.broadcast %sub3A_190 : i32 to vector<128x6400xi32>
    %sub3A_192 = arith.subi %div3A_165, %sub3A_191 : vector<128x6400xi32>
    %select_n3A_193 = arith.select %and3A_189, %sub3A_192, %div3A_165 : vector<128x6400xi1>, vector<128x6400xi32>
    %eq3A_194 = arith.cmpi eq, %iota3A_161, %select_n3A_193 : vector<128x6400xi32>
    %convert_element_type3A_195 = arith.extui %eq3A_194 : vector<128x6400xi1> to vector<128x6400xi32>
    %convert_element_type3A_196 = arith.sitofp %convert_element_type3A_195 : vector<128x6400xi32> to vector<128x6400xf32>
    %mul3A_197 = vector.broadcast %exp3A : vector<6400x1xf32> to vector<6400x64xf32>
    %mul3A_198 = arith.mulf %max3A_74, %mul3A_197 : vector<6400x64xf32>
    %dot_general3A_199 = arith.constant dense<0.000000e+00> : vector<128x64xf32>
    %dot_general3A_200 = tpu.matmul %convert_element_type3A_196, %mul3A_198, %dot_general3A_199 {dimension_numbers = #tpu.dot_dimension_numbers<[1], [0], [0], [1], [0, 0, 1, 1], [], []>, transpose_lhs_hint = false} : vector<128x6400xf32>, vector<6400x64xf32>, vector<128x64xf32> -> vector<128x64xf32>
    %dot_general3A_201 = arith.constant dense<0.000000e+00> : vector<128x1xf32>
    %dot_general3A_202 = tpu.matmul %convert_element_type3A_196, %exp3A, %dot_general3A_201 {dimension_numbers = #tpu.dot_dimension_numbers<[1], [0], [0], [1], [0, 0, 1, 1], [], []>, transpose_lhs_hint = false} : vector<128x6400xf32>, vector<6400x1xf32>, vector<128x1xf32> -> vector<128x1xf32>
    %div3A_203 = vector.broadcast %dot_general3A_202 : vector<128x1xf32> to vector<128x64xf32>
    %div3A_204 = arith.divf %dot_general3A_200, %div3A_203 : vector<128x64xf32>
    %swap3A = arith.constant 0 : index
    %swap3A_205 = arith.constant 0 : index
    %swap3A_206 = vector.load %arg16[%swap3A, %swap3A_205] : memref<128x64xf32, #tpu.memory_space<vmem>>, vector<128x64xf32>
    tpu.vector_store %arg16[%swap3A, %swap3A_205], %div3A_204 {strides = array<i32>} : memref<128x64xf32, #tpu.memory_space<vmem>>, vector<128x64xf32>,
    return
  }
  func.func @transform_0(%arg0: i32) -> (i32, i32) {
    %c0_i32 = arith.constant 0 : i32
    %c0_i32_0 = arith.constant 0 : i32
    return %arg0, %c0_i32 : i32, i32
  }
  func.func @transform_1(%arg0: i32) -> (i32, i32) {
    %c0_i32 = arith.constant 0 : i32
    %c0_i32_0 = arith.constant 0 : i32
    return %arg0, %c0_i32 : i32, i32
  }
  func.func @transform_2(%arg0: i32) -> (i32, i32) {
    %c0_i32 = arith.constant 0 : i32
    %c0_i32_0 = arith.constant 0 : i32
    return %arg0, %c0_i32 : i32, i32
  }
  func.func @transform_3(%arg0: i32) -> (i32, i32) {
    %c0_i32 = arith.constant 0 : i32
    %c0_i32_0 = arith.constant 0 : i32
    return %arg0, %c0_i32 : i32, i32
  }
  func.func @transform_4(%arg0: i32) -> (i32, i32) {
    %c0_i32 = arith.constant 0 : i32
    %c0_i32_0 = arith.constant 0 : i32
    %c0_i32_1 = arith.constant 0 : i32
    return %c0_i32, %c0_i32_0 : i32, i32
  }
  func.func @transform_5(%arg0: i32) -> (i32, i32) {
    %c0_i32 = arith.constant 0 : i32
    %c0_i32_0 = arith.constant 0 : i32
    %c0_i32_1 = arith.constant 0 : i32
    return %c0_i32, %c0_i32_0 : i32, i32
  }
  func.func @transform_6(%arg0: i32) -> (i32, i32) {
    %c0_i32 = arith.constant 0 : i32
    %c0_i32_0 = arith.constant 0 : i32
    %c0_i32_1 = arith.constant 0 : i32
    return %c0_i32, %c0_i32_0 : i32, i32
  }
  func.func @transform_7(%arg0: i32) -> (i32, i32) {
    %c0_i32 = arith.constant 0 : i32
    %c0_i32_0 = arith.constant 0 : i32
    %c0_i32_1 = arith.constant 0 : i32
    return %c0_i32, %c0_i32_0 : i32, i32
  }
  func.func @transform_8(%arg0: i32) -> (i32, i32) {
    %c0_i32 = arith.constant 0 : i32
    %c0_i32_0 = arith.constant 0 : i32
    %c0_i32_1 = arith.constant 0 : i32
    return %c0_i32, %c0_i32_0 : i32, i32
  }
  func.func @transform_9(%arg0: i32) -> (i32, i32) {
    %c0_i32 = arith.constant 0 : i32
    %c0_i32_0 = arith.constant 0 : i32
    %c0_i32_1 = arith.constant 0 : i32
    return %c0_i32, %c0_i32_0 : i32, i32
  }
  func.func @transform_10(%arg0: i32) -> (i32, i32) {
    %c0_i32 = arith.constant 0 : i32
    %c0_i32_0 = arith.constant 0 : i32
    %c0_i32_1 = arith.constant 0 : i32
    return %c0_i32, %c0_i32_0 : i32, i32
  }
  func.func @transform_11(%arg0: i32) -> (i32, i32) {
    %c0_i32 = arith.constant 0 : i32
    %c0_i32_0 = arith.constant 0 : i32
    %c0_i32_1 = arith.constant 0 : i32
    return %c0_i32, %c0_i32_0 : i32, i32
  }
  func.func @transform_12(%arg0: i32) -> (i32, i32) {
    %c0_i32 = arith.constant 0 : i32
    %c0_i32_0 = arith.constant 0 : i32
    %c0_i32_1 = arith.constant 0 : i32
    return %c0_i32, %c0_i32_0 : i32, i32
  }
  func.func @transform_13(%arg0: i32) -> (i32, i32) {
    %c0_i32 = arith.constant 0 : i32
    %c0_i32_0 = arith.constant 0 : i32
    %c0_i32_1 = arith.constant 0 : i32
    return %c0_i32, %c0_i32_0 : i32, i32
  }
  func.func @transform_14(%arg0: i32) -> (i32, i32) {
    %c0_i32 = arith.constant 0 : i32
    %c0_i32_0 = arith.constant 0 : i32
    %c0_i32_1 = arith.constant 0 : i32
    return %c0_i32, %c0_i32_0 : i32, i32
  }
  func.func @transform_15(%arg0: i32) -> (i32, i32) {
    %c0_i32 = arith.constant 0 : i32
    %c0_i32_0 = arith.constant 0 : i32
    return %arg0, %c0_i32 : i32, i32
  }
}

</mosaic_0001>

<sc_bundles>
// kernel: kernel.6.cloned.1.call-start
scs
__scs_entry_jumppad:
0x0: {  	(pc) =	sbr.rel $0x88, $3  }
0x1: {  	(tag) =	ssettag $0x0;
	lr =	simm.s32 $0x1  }
0x2: {  	[smem:$0x3F91] =	sst lr;
	_ =	strace $0xD0000000  }
0x3: {  	_ = 	snop  }
0x4: {  	_ = 	snop  }
0x5: {  	_ = 	snop  }
0x6: {  	_ = 	snop  }
0x7: {  	_ = 	snop  }
__scs_overlays_trampoline_lowered:
0x8: {  	[smem:$0x3FA0] =	sst s0  }
0x9: {  	[smem:$0x3FA1] =	sst s1  }
0xa: {  	[smem:$0x3FA2] =	sst s2  }
0xb: {  	[smem:$0x3FA3] =	sst s3  }
0xc: {  	[smem:$0x3FA4] =	sst s4  }
0xd: {  	[smem:$0x3FA5] =	sst s5  }
0xe: {  	[smem:$0x3FA6] =	sst s6  }
0xf: {  	[smem:$0x3FA7] =	sst s7  }
0x10: {  	[smem:$0x3FA8] =	sst s8  }
0x11: {  	[smem:$0x3FA9] =	sst s9;
	s0 =	simm.s32 @!p0 $0x0  }
0x12: {  	s1 =	sld [smem:$0x3F8F];
	s0 =	simm.s32 @p0 $0x1  }
0x13: {  	[smem:$0x3FAA] =	sst s0;
	s0 =	simm.s32 @!p1 $0x0  }
0x14: {  	s2 =	sld [smem:$0x3F8E];
	s0 =	simm.s32 @p1 $0x1  }
0x15: {  	[smem:$0x3FAB] =	sst s0;
	s0 =	simm.s32 @!p2 $0x0  }
0x16: {  	s3 =	sld [smem:$0x3FDB];
	s0 =	simm.s32 @p2 $0x1  }
0x17: {  	s4 =	simm.s32 $0x1BF5;
	[smem:$0x3FAD] =	sst s0  }
0x18: {  	s0 =	sld [smem:$0x3F90];
	_ =	swait.ge [sflag:s4], $0x0  }
0x19: {  	s7 =	sld [smem:$0x3F91]  }
0x1a: {  	s8 =	sadd.s32 $0xFFFFE003, lr  }
0x1b: {  	s9 =	sadd.s32 $0xFFFFFEF7, lr;
	s5 =	simm.s32 $0xFFFFFFFF;
	p2 =	slt.u32 s8, $0xFFFFF086  }
0x1c: {  	p1 =	slt.u32 s9, $0xF7A;
	s5 =	simm.s32 @!p2 $0x0  }
0x1d: {  	s5 =	simm.s32 @p1 $0x1;
	p0 =	seq.s32 s7, s2  }
0x1e: {  	s7 =	smul.u32 @!p0 $0xF7A, s2;
	p2 =	seq.s32 @!p0 s5, $0x0  }
0x1f: {  	s9 =	smul.u32 $0xF7A, s1;
	s8 =	simm.s32 @!p0 $0x1BF5;
	p2 =	por !p2, p0  }
0x20: {  	[sflag:s8] =	ssyncset.s32 @!p0 $0xFFFFF086;
	s6 =	sadd.s32 @!p0 s3, s7;
	s7 =	simm.s32 @!p0 $0x108  }
0x21: {  	s3 =	sadd.s32 s3, s9;
	s6 =	sadd.s32 @!p0 $0x88, s6;
	s7 =	simm.s32 @p2 $0x1082  }
0x22: {  	[simem:s7], [sflag:s8] =	dma.local @!p0 [hbm:s6], $0xF7A  }
0x23: {  	s9 =	sor.u32 $0xD0000000, s2;
	s6 =	simm.s32 $0x108;
	_ =	swait.ge @!p0 [sflag:s8], $0x0  }
0x24: {  	s3 =	sadd.s32 $0x88, s3;
	s6 =	simm.s32 @!p1 $0x1082;
	[sflag:s4] =	ssyncset.s32 $0xFFFFF086  }
0x25: {  	[simem:s6], [sflag:s4] =	dma.local [hbm:s3], $0xF7A  }
0x26: {  	[smem:$0x3F91] =	sst s1;
	(tag) =	ssettag s2;
	_ =	strace s9  }
0x27: {  	s1 =	sld [smem:$0x3FA1]  }
0x28: {  	s2 =	sld [smem:$0x3FA2]  }
0x29: {  	s4 =	sld [smem:$0x3FA4]  }
0x2a: {  	p0 =	seq.s32 s5, $0x0;
	s5 =	sld [smem:$0x3FA5]  }
0x2b: {  	s6 =	sld [smem:$0x3FA6]  }
0x2c: {  	s7 =	sld [smem:$0x3FA7]  }
0x2d: {  	s3 =	simm.s32 $0x108;
	s8 =	sld [smem:$0x3FA8]  }
0x2e: {  	s3 =	simm.s32 @!p0 $0x1082;
	s9 =	sld [smem:$0x3FA9]  }
0x2f: {  	lr =	sadd.s32 s0, s3;
	s0 =	sld [smem:$0x3FA0]  }
0x30: {  	s3 =	sld [smem:$0x3FA3]  }
0x31: {  	[smem:$0x3FAC] =	sst s10  }
0x32: {  	s10 =	sld [smem:$0x3FAA];
	_ =	sdelay $0x3  }
0x33: {  	p0 =	seq.s32 s10, $0x1;
	s10 =	sld [smem:$0x3FAC];
	_ =	sdelay $0x3  }
0x34: {  	[smem:$0x3FAC] =	sst s10  }
0x35: {  	s10 =	sld [smem:$0x3FAB];
	_ =	sdelay $0x3  }
0x36: {  	p1 =	seq.s32 s10, $0x1;
	s10 =	sld [smem:$0x3FAC];
	_ =	sdelay $0x3  }
0x37: {  	[smem:$0x3FAC] =	sst s10  }
0x38: {  	s10 =	sld [smem:$0x3FAD]  }
0x39: {  	_ = 	snop;
	(pc) =	sbr.ind lr, $3  }
0x3a: {  	_ = 	snop  }
0x3b: {  	_ = 	snop  }
0x3c: {  	p2 =	seq.s32 s10, $0x1;
	s10 =	sld [smem:$0x3FAC]  }
0x3d: {  	_ =	shalt  }
0x3e: {  	_ =	shalt  }
0x3f: {  	_ =	shalt  }
0x40: {  	_ =	shalt  }
0x41: {  	_ =	shalt  }
0x42: {  	_ =	shalt  }
0x43: {  	_ =	shalt  }
0x44: {  	_ =	shalt  }
0x45: {  	_ =	shalt  }
0x46: {  	_ =	shalt  }
0x47: {  	_ =	shalt  }
0x48: {  	_ =	shalt  }
0x49: {  	_ =	shalt  }
0x4a: {  	_ =	shalt  }
0x4b: {  	_ =	shalt  }
0x4c: {  	_ =	shalt  }
0x4d: {  	_ =	shalt  }
0x4e: {  	_ =	shalt  }
0x4f: {  	_ =	shalt  }
0x50: {  	_ =	shalt  }
0x51: {  	_ =	shalt  }
0x52: {  	_ =	shalt  }
0x53: {  	_ =	shalt  }
0x54: {  	_ =	shalt  }
0x55: {  	_ =	shalt  }
0x56: {  	_ =	shalt  }
0x57: {  	_ =	shalt  }
0x58: {  	_ =	shalt  }
0x59: {  	_ =	shalt  }
0x5a: {  	_ =	shalt  }
0x5b: {  	_ =	shalt  }
0x5c: {  	_ =	shalt  }
0x5d: {  	_ =	shalt  }
0x5e: {  	_ =	shalt  }
0x5f: {  	_ =	shalt  }
0x60: {  	_ =	shalt  }
0x61: {  	_ =	shalt  }
0x62: {  	_ =	shalt  }
0x63: {  	_ =	shalt  }
0x64: {  	_ =	shalt  }
0x65: {  	_ =	shalt  }
0x66: {  	_ =	shalt  }
0x67: {  	_ =	shalt  }
0x68: {  	_ =	shalt  }
0x69: {  	_ =	shalt  }
0x6a: {  	_ =	shalt  }
0x6b: {  	_ =	shalt  }
0x6c: {  	_ =	shalt  }
0x6d: {  	_ =	shalt  }
0x6e: {  	_ =	shalt  }
0x6f: {  	_ =	shalt  }
0x70: {  	_ =	shalt  }
0x71: {  	_ =	shalt  }
0x72: {  	_ =	shalt  }
0x73: {  	_ =	shalt  }
0x74: {  	_ =	shalt  }
0x75: {  	_ =	shalt  }
0x76: {  	_ =	shalt  }
0x77: {  	_ =	shalt  }
0x78: {  	_ =	shalt  }
0x79: {  	_ =	shalt  }
0x7a: {  	_ =	shalt  }
0x7b: {  	_ =	shalt  }
0x7c: {  	_ =	shalt  }
0x7d: {  	_ =	shalt  }
0x7e: {  	_ =	shalt  }
0x7f: {  	_ =	shalt  }
0x80: {  	_ =	shalt  }
0x81: {  	_ =	shalt  }
0x82: {  	_ =	shalt  }
0x83: {  	_ =	shalt  }
0x84: {  	_ =	shalt  }
0x85: {  	_ =	shalt  }
0x86: {  	_ =	shalt  }
0x87: {  	_ =	shalt  }
.Lfunc_end0:
.L_simem_size_0:
called_computation_lowered:
.L_overlay_start_0:
0x88: {  	s2 =	sld [smem:$0x3FD9]  }
0x89: {  	s3 =	sld [smem:$0x3FFE];
	_ =	sdelay $0x1  }
0x8a: {  	s1 =	srdreg.scid  }
0x8b: {  	s0 =	sand.u32 $0x1, s1  }
0x8c: {  	s18 =	sshll.u32 s0, $0xA;
	s2 =	sadd.s32 s3, s2  }
0x8d: {  	s2 =	sadd.s32 s2, s18  }
0x8e: {  	[smem:$0x3FB8] =	sst s2  }
0x8f: {  	_ = 	snop  }
0x90: {  	s2 =	sld [smem:$0x3FC9]  }
0x91: {  	s19 =	sld [smem:$0x3FC5]  }
0x92: {  	s4 =	sld [smem:$0x3FD0];
	(tm) =	ssettm $0x1  }
0x93: {  	s5 =	sld [smem:$0x3FFB];
	_ =	sdelay $0x3  }
0x94: {  	_ =	strace s5  }
0x95: {  	s5 =	sld [smem:$0x3FFC];
	_ =	sdelay $0x3  }
0x96: {  	_ =	strace s5  }
0x97: {  	s5 =	sld [smem:$0x3FFD];
	_ =	sdelay $0x3  }
0x98: {  	_ =	strace s5  }
0x99: {  	_ =	strace $0x8FFFFFFF  }
0x9a: {  	s20 =	sld [smem:$0x3FDB];
	_ =	sdelay $0x1  }
0x9b: {  	s6 =	simm.s32 $_scs_section_size  }
0x9c: {  	s7 =	simm.s32 $_size__tile_overlayer_lowered;
	s8 =	simm.s32 $_tile_overlayer_lowered  }
0x9d: {  	s23 =	simm.s32 $0x1BFF;
	s22 =	sshll.u32 s8, $0x1;
	s5 =	sadd.s32 s6, s20  }
0x9e: {  	s9 =	simm.s32 $0x0;
	s21 =	sshll.u32 s7, $0x1;
	s7 =	sadd.s32 s22, s5  }
0x9f: {  	[timem:s9], [sflag:s23] =	dma.local [hbm:s7], s21  }
0xa0: {  	_ =	swait.ge [sflag:s23], s21  }
0xa1: {  	s6 =	ssub.s32 $0x0, s21;
	[sflag:s23] =	ssyncset.done $0x0  }
0xa2: {  	[sflag:s23] =	ssyncadd.s32 s6;
	_ =	sdelay $0x1  }
0xa3: {  	s24 =	simm.s32 $0x1B8B  }
0xa4: {  	_ =	swait.ge [sflag:s24], $0x1  }
0xa5: {  	[sflag:s24] =	ssyncset.done $0x0  }
0xa6: {  	s25 =	simm.s32 $0x1B8E;
	[sflag:s24] =	ssyncadd.s32 $0xFFFFFFFF  }
0xa7: {  	s26 =	simm.s32 $execute0_lowered;
	[smem:$0x3FD2] =	sst s25  }
0xa8: {  	s6 =	sshll.u32 s26, $0x1;
	_ =	strace $0x80000046;
	[dreg:$0x1] =	wrdreg $0xFFFFFFFF  }
0xa9: {  	s28 =	simm.s32 $_size_execute0_lowered;
	s5 =	sadd.s32 s5, s6;
	[dreg:$0x0] =	wrdreg $0x0  }
0xaa: {  	s6 =	sshll.u32 s28, $0x1;
	[dreg:$0x2] =	wrdreg s5  }
0xab: {  	[dreg:$0x3] =	wrdreg s6  }
0xac: {  	[dreg:$0x4] =	wrdreg $0xC0  }
0xad: {  	_ =	task [dreg:s9], $0x5FFFF  }
0xae: {  	[dreg:$0x1] =	wrdreg $0xFFFFFFFF  }
0xaf: {  	[dreg:$0x0] =	wrdreg $0x60  }
0xb0: {  	[dreg:$0x2] =	wrdreg s19  }
0xb1: {  	[dreg:$0x3] =	wrdreg s2  }
0xb2: {  	[dreg:$0x4] =	wrdreg s4  }
0xb3: {  	[dreg:$0x5] =	wrdreg $0x9  }
0xb4: {  	_ =	task.clear_ibuf [dreg:s9], $0x6FFFF;
	_ =	strace $0x90000046  }
0xb5: {  	s29 =	simm.s32 $0x9;
	_ =	strace $0x80000048  }
0xb6: {  	_ =	swait.ge [sflag:s29], $0x1  }
0xb7: {  	[sflag:s29] =	ssyncadd.s32 $0xFFFFFFFF  }
0xb8: {  	_ =	strace $0x90000048  }
0xb9: {  	_ =	sfence  }
0xba: {  	s30 =	sld [smem:$0x0];
	_ =	sdelay $0x2  }
0xbb: {  	s31 =	sshll.u32 s1, $0xD;
	s1 =	sshrl.u32 s1, $0x2  }
0xbc: {  	s3 =	sand.u32 $0x4000, s31;
	s1 =	sadd.s32 s1, s30  }
0xbd: {  	s0 =	sor.u32 s3, s0;
	s1 =	sshll.u32 s1, $0x11  }
0xbe: {  	s0 =	sor.u32 s1, s0  }
0xbf: {  	s0 =	sadd.s32 $0x8F2B, s0  }
0xc0: {  	[sflag:s0] =	ssyncadd.remote.s32 $0x1  }
0xc1: {  	_ =	sfence.sel $0xFFFF  }
0xc2: {  	[dreg:$0x0] =	wrdreg $0xFFFFFFFF;
	(pc) =	sbr.abs _section_cstart, $3  }
0xc3: {  	[dreg:$0x1] =	wrdreg $0xFFFFFFFF  }
0xc4: {  	_ =	task.clear_ibuf [dreg:s9], $0x2FFFF;
	_ =	strace $0x9FFFFFFF  }
0xc5: {  	(tm) =	ssettm $0x7FFFFFFF  }
tec
execute0_lowered:
.L_overlay_start_1:
0x0: {  	(tag) =	ssettag $0x1  }
0x1: {  	s1 =	rddreg [dreg:$0x0]  }
0x2: {  	s4 =	rddreg [dreg:$0x1]  }
0x3: {  	s5 =	rddreg [dreg:$0x2]  }
0x4: {  	s0 =	rddreg [dreg:$0x3];
	s6 =	srdreg.scid  }
0x5: {  	s3 =	simm.s32 $0x0;
	s2 =	stileid.u32;
	s10 =	simm.s32 $0x7A1400  }
0x6: {  	s11 =	simm.s32 $0x80;
	s12 =	simm.s32 $0x2080;
	s13 =	simm.s32 $0x4080  }
0x7: {  	s14 =	simm.s32 $0x2;
	s15 =	simm.s32 $0x0;
	s6 =	sand.u32 $0x1, s6  }
0x8: {  	v0 =	vlaneseq.u32;
	v2 =	vimm.s32 $0x0;
	vm0 =	vcmask $0x300;
	[smem:$0x7FF] =	sst s3;
	s8 =	sshll.u32 s2, $0x1;
	s7 =	ssub.s32 $0x2, s6  }
0x9: {  	v1 =	vmul.u32 $0x80, v0;
	v2 =	vsel vm0, $0x7, v2;
	v4 =	vor.u32 $0x10, v0;
	_ =	strace $0x80000047;
	s6 =	sor.u32 s6, s8;
	s9 =	sshrl.u32 s7, $0x1  }
0xa: {  	v6 =	vor.u32 $0x20, v0;
	v8 =	vor.u32 $0x30, v0;
	v9 =	vor.u32 $0x40, v0;
	s8 =	sshll.u32 s6, $0x2;
	s6 =	sshll.u32 s6, $0x8;
	s7 =	ssub.s32 s7, s9  }
0xb: {  	v10 =	vor.u32 $0x50, v0;
	v11 =	vor.u32 $0x60, v0;
	v12 =	vor.u32 $0x70, v0;
	s4 =	sadd.s32 s4, s8;
	s5 =	sadd.s32 s5, s6;
	s8 =	simm.s32 $0x1  }
0xc: {  	v3 =	vor.u32 $0x800, v1;
	v5 =	vor.u32 $0x1000, v1;
	v7 =	vor.u32 $0x1800, v1;
	s9 =	simm.s32 $0x400;
	s6 =	smax.u32 s7, $0x1;
	s7 =	simm.s32 $0x3  }
.LBB2_1:
0xd: {  	[tilespmem:s3], [sflag:$0x3] =	stream.linear.gather [hbm4b:s4+s3], $0x20, $0x38;
	[tilespmem:$0x4880] =	vst v63  }
0xe: {  	_ =	swait.ge [sflag:s7], $0x20  }
0xf: {  	s16 =	sand.u32 $0x40, s3;
	[sflag:s7] =	ssyncset.done $0x0  }
0x10: {  	s16 =	sshrl.u32 s16, $0x2;
	[sflag:s7] =	ssyncadd.s32 $0xFFFFFFE0  }
0x11: {  	v13 =	vld [tilespmem:s16+$0x0];
	_ =	sdelay $0x2  }
0x12: {  	s29 =	simm.s32 $0x0;
	s17 =	sand.u32 $0xF, s8  }
0x13: {  	v14 =	vmov s17;
	s16 =	sand.u32 $0xE, s29  }
0x14: {  	vm0 =	veq.s32 v14, v0;
	v15 =	vmov s16;
	v13 =	vxor.u32 $0x80000000, v13  }
0x15: {  	vm1 =	veq.s32 v15, v0;
	v14 =	vnsel vm0, $0x80000000, v13  }
0x16: {  	v13 =	vnsel vm1, $0x80000000, v13;
	(xrf0) =	vmax.scan.msk.u32 $0xffff, v14  }
0x17: {  	(xrf0) =	vmax.scan.msk.u32 $0xffff, v13;
	_ =	sdelay $0x4  }
0x18: {  	v13, _, _ =	vpop (xrf0)  }
0x19: {  	v14, _, _ =	vpop (xrf0);
	(v2sf) =	vpush v13, $0xF  }
0x1a: {  	(v2sf) =	vpush v14, $0xF;
	_ =	sdelay $0xd  }
0x1b: {  	s30 =	spop (v2sf)  }
0x1c: {  	s31 =	spop (v2sf);
	s18 =	sxor.u32 $0x80000000, s30;
	p0 =	sgt.s32 s30, $0xFFFFFFFF  }
0x1d: {  	s16 =	sand.u32 $0x7F, s30;
	s19 =	sxor.u32 $0x80000000, s31;
	s20 =	sand.u32 $0x7F, s31  }
0x1e: {  	s21 =	sshra.s32 s18, $0x1F;
	p2 =	sgt.s32 s31, $0xFFFFFFFF;
	p5 =	slt.s32 s18, $0x1  }
0x1f: {  	p6 =	sne.s32 s16, $0x0;
	s22 =	sshra.s32 s19, $0x1F;
	p1 =	slt.s32 s19, $0x1  }
0x20: {  	p3 =	sne.s32 s20, $0x0;
	p0 =	por p0, p5;
	s25 =	sshrl.u32 s21, $0x19  }
0x21: {  	s20 =	simm.s32 $0x1;
	s23 =	sshrl.u32 s22, $0x19;
	p1 =	por p2, p1  }
0x22: {  	p0 =	por !p6, !p0;
	s17 =	sadd.s32 s23, s19;
	p1 =	por !p3, !p1  }
0x23: {  	s24 =	sshrl.u32 s17, $0x7;
	p1 =	por !p1, !p1;
	s17 =	simm.s32 $0x1  }
0x24: {  	s26 =	sadd.s32 s25, s18;
	p0 =	por !p0, !p0;
	s17 =	simm.s32 @!p1 $0x0  }
0x25: {  	s20 =	simm.s32 @!p0 $0x0;
	s16 =	ssub.s32 s24, s17;
	s17 =	sshrl.u32 s26, $0x7  }
0x26: {  	s16 =	sshll.u32 s16, $0x7;
	s17 =	ssub.s32 s17, s20  }
0x27: {  	s28 =	sand.u32 $0x1FFFFF80, s16;
	s17 =	sshll.u32 s17, $0x7  }
0x28: {  	s16 =	ssub.s32 s19, s16;
	s20 =	sadd.s32 s1, s28;
	s29 =	sand.u32 $0x1FFFFF80, s17  }
0x29: {  	[tilespmem:s11], [sflag:$0x1] =	stream.strided.gather [hbm4b:s20+s9], $0x2000, s10, s9, $0x38;
	[tilespmem:$0x4880] =	vst v63  }
0x2a: {  	v14 =	vmov s3;
	v13 =	vadd.s32 s16, v1;
	s19 =	sadd.s32 s1, s29  }
0x2b: {  	v14 =	vshrl.u32 v14, $0x7;
	[tilespmem:s12], [sflag:$0x2] =	stream.strided.gather [hbm4b:s19+s9], $0x2000, s10, s9, $0x38;
	[tilespmem:$0x4880] =	vst v63  }
0x2c: {  	v14 =	vshll.u32 v14, v2;
	_ =	swait.ge [sflag:s8], $0x2000  }
0x2d: {  	v14 =	vbroadcast v14, $0x0;
	[sflag:s8] =	ssyncset.done $0x0  }
0x2e: {  	[sflag:s8] =	ssyncadd.s32 $0xFFFFE000  }
0x2f: {  	v15 =	vor.u32 v0, v14;
	v13 =	vld.idx.msk [tilespmem:v13+s11+$0x0], $0xffff  }
0x30: {  	v16 =	vadd.s32 s16, v3;
	_ =	sdelay $0x3  }
0x31: {  	[tilespmem:v15+s13+$0x0] =	vst.idx.msk $0xffff, v13  }
0x32: {  	v15 =	vor.u32 v4, v14;
	v13 =	vld.idx.msk [tilespmem:v16+s11+$0x0], $0xffff  }
0x33: {  	v58 =	vadd.s32 s16, v5;
	_ =	sdelay $0x3  }
0x34: {  	[tilespmem:v15+s13+$0x0] =	vst.idx.msk $0xffff, v13  }
0x35: {  	v15 =	vor.u32 v6, v14;
	v13 =	vld.idx.msk [tilespmem:v58+s11+$0x0], $0xffff  }
0x36: {  	v59 =	vadd.s32 s16, v7;
	_ =	sdelay $0x3  }
0x37: {  	[tilespmem:v15+s13+$0x0] =	vst.idx.msk $0xffff, v13  }
0x38: {  	v14 =	vor.u32 v8, v14;
	v13 =	vld.idx.msk [tilespmem:v59+s11+$0x0], $0xffff;
	_ =	sdelay $0x2  }
0x39: {  	s31 =	simm.s32 $0x40;
	s30 =	ssub.s32 s18, s17  }
0x3a: {  	v60 =	vmov s31;
	v15 =	vadd.s32 s30, v1  }
0x3b: {  	[tilespmem:v14+s13+$0x0] =	vst.idx.msk $0xffff, v13;
	v13 =	vshrl.u32 v60, $0x7  }
0x3c: {  	_ =	swait.ge [sflag:s14], $0x2000;
	v13 =	vshll.u32 v13, v2  }
0x3d: {  	[sflag:s14] =	ssyncset.done $0x0;
	v14 =	vbroadcast v13, $0x0  }
0x3e: {  	[sflag:s14] =	ssyncadd.s32 $0xFFFFE000  }
0x3f: {  	v13 =	vld.idx.msk [tilespmem:v15+s12+$0x0], $0xffff;
	v15 =	vor.u32 v9, v14  }
0x40: {  	v61 =	vadd.s32 s30, v3;
	_ =	sdelay $0x3  }
0x41: {  	[tilespmem:v15+s13+$0x0] =	vst.idx.msk $0xffff, v13  }
0x42: {  	v15 =	vor.u32 v10, v14;
	v13 =	vld.idx.msk [tilespmem:v61+s12+$0x0], $0xffff  }
0x43: {  	v62 =	vadd.s32 s30, v5;
	_ =	sdelay $0x3  }
0x44: {  	[tilespmem:v15+s13+$0x0] =	vst.idx.msk $0xffff, v13  }
0x45: {  	v15 =	vor.u32 v11, v14;
	v13 =	vld.idx.msk [tilespmem:v62+s12+$0x0], $0xffff  }
0x46: {  	v63 =	vadd.s32 s30, v7;
	_ =	sdelay $0x3  }
0x47: {  	[tilespmem:v15+s13+$0x0] =	vst.idx.msk $0xffff, v13  }
0x48: {  	s16 =	simm.s32 $0x3;
	s17 =	simm.s32 $0x0;
	s18 =	simm.s32 $0x0;
	v14 =	vor.u32 v12, v14;
	v13 =	vld.idx.msk [tilespmem:v63+s12+$0x0], $0xffff  }
.LBB2_2:
0x49: {  	p0 =	sne.s32 s16, $0x1F;
	s17 =	sadd.s32 $0x80, s17;
	s18 =	sadd.s32 $0x8, s18  }
0x4a: {  	s19 =	smov.u32 s16;
	s16 =	sadd.s32 $0x2, s16  }
0x4b: {  	s20 =	sand.u32 $0x40, s18  }
0x4c: {  	s20 =	sshrl.u32 s20, $0x2  }
0x4d: {  	[tilespmem:v14+s13+$0x0] =	vst.idx.msk $0xffff, v13  }
0x4e: {  	v13 =	vld [tilespmem:s20+$0x0];
	_ =	sdelay $0x1  }
0x4f: {  	s20 =	sadd.s32 $0xFFFFFFFF, s19  }
0x50: {  	s19 =	sand.u32 $0xF, s19;
	s20 =	sand.u32 $0xE, s20  }
0x51: {  	v15 =	vmov s19;
	v14 =	vmov s20  }
0x52: {  	vm1 =	veq.s32 v15, v0;
	vm0 =	veq.s32 v14, v0;
	v13 =	vxor.u32 $0x80000000, v13  }
0x53: {  	v14 =	vnsel vm0, $0x80000000, v13;
	v13 =	vnsel vm1, $0x80000000, v13  }
0x54: {  	(xrf0) =	vmax.scan.msk.u32 $0xffff, v13  }
0x55: {  	(xrf0) =	vmax.scan.msk.u32 $0xffff, v14;
	_ =	sdelay $0x4  }
0x56: {  	v13, _, _ =	vpop (xrf0)  }
0x57: {  	v14, _, _ =	vpop (xrf0);
	(v2sf) =	vpush v13, $0xF  }
0x58: {  	(v2sf) =	vpush v14, $0xF;
	_ =	sdelay $0xd  }
0x59: {  	s19 =	spop (v2sf)  }
0x5a: {  	s20 =	sxor.u32 $0x80000000, s19  }
0x5b: {  	p1 =	sgt.s32 s19, $0xFFFFFFFF;
	s21 =	spop (v2sf);
	s19 =	sand.u32 $0x7F, s19  }
0x5c: {  	s22 =	sxor.u32 $0x80000000, s21;
	s23 =	sand.u32 $0x7F, s21;
	s24 =	sshra.s32 s20, $0x1F  }
0x5d: {  	p3 =	sgt.s32 s21, $0xFFFFFFFF;
	s25 =	sshra.s32 s22, $0x1F;
	p2 =	slt.s32 s22, $0x1  }
0x5e: {  	p4 =	sne.s32 s23, $0x0;
	s21 =	sshrl.u32 s25, $0x19;
	p2 =	por p3, p2  }
0x5f: {  	p3 =	slt.s32 s20, $0x1;
	s21 =	sadd.s32 s21, s22;
	p2 =	por !p4, !p2  }
0x60: {  	p1 =	por p1, p3;
	p3 =	sne.s32 s19, $0x0;
	s19 =	sshrl.u32 s21, $0x7  }
0x61: {  	p2 =	por !p2, !p2;
	p1 =	por !p3, !p1;
	s21 =	simm.s32 $0x1  }
0x62: {  	s23 =	sshrl.u32 s24, $0x19;
	s21 =	simm.s32 @!p2 $0x0;
	p1 =	por !p1, !p1  }
0x63: {  	s19 =	ssub.s32 s19, s21;
	s21 =	sadd.s32 s23, s20;
	s23 =	simm.s32 $0x1  }
0x64: {  	s23 =	simm.s32 @!p1 $0x0  }
0x65: {  	s19 =	sshll.u32 s19, $0x7;
	s21 =	sshrl.u32 s21, $0x7  }
0x66: {  	s21 =	ssub.s32 s21, s23;
	s23 =	sand.u32 $0x1FFFFF80, s19;
	s22 =	ssub.s32 s22, s19  }
0x67: {  	s19 =	sshll.u32 s21, $0x7;
	s21 =	sadd.s32 s1, s23  }
0x68: {  	[tilespmem:s11], [sflag:$0x1] =	stream.strided.gather [hbm4b:s21+s9], $0x2000, s10, s9, $0x38;
	[tilespmem:$0x4880] =	vst v63  }
0x69: {  	s21 =	sand.u32 $0x1FFFFF80, s19;
	s19 =	ssub.s32 s20, s19  }
0x6a: {  	v13 =	vadd.s32 s22, v1;
	s20 =	sadd.s32 s1, s21  }
0x6b: {  	v14 =	vmov s17;
	[tilespmem:s12], [sflag:$0x2] =	stream.strided.gather [hbm4b:s20+s9], $0x2000, s10, s9, $0x38;
	[tilespmem:$0x4880] =	vst v63  }
0x6c: {  	v14 =	vshrl.u32 v14, $0x7;
	_ =	swait.ge [sflag:s8], $0x2000  }
0x6d: {  	v14 =	vshll.u32 v14, v2;
	[sflag:s8] =	ssyncset.done $0x0  }
0x6e: {  	v14 =	vbroadcast v14, $0x0;
	[sflag:s8] =	ssyncadd.s32 $0xFFFFE000  }
0x6f: {  	v13 =	vld.idx.msk [tilespmem:v13+s11+$0x0], $0xffff  }
0x70: {  	v15 =	vor.u32 v0, v14  }
0x71: {  	v16 =	vadd.s32 s22, v3;
	_ =	sdelay $0x3  }
0x72: {  	[tilespmem:v15+s13+$0x0] =	vst.idx.msk $0xffff, v13  }
0x73: {  	v13 =	vld.idx.msk [tilespmem:v16+s11+$0x0], $0xffff  }
0x74: {  	v15 =	vor.u32 v4, v14  }
0x75: {  	v16 =	vadd.s32 s22, v5;
	_ =	sdelay $0x3  }
0x76: {  	[tilespmem:v15+s13+$0x0] =	vst.idx.msk $0xffff, v13  }
0x77: {  	v13 =	vld.idx.msk [tilespmem:v16+s11+$0x0], $0xffff  }
0x78: {  	v15 =	vor.u32 v6, v14  }
0x79: {  	v16 =	vadd.s32 s22, v7;
	_ =	sdelay $0x3  }
0x7a: {  	[tilespmem:v15+s13+$0x0] =	vst.idx.msk $0xffff, v13  }
0x7b: {  	v13 =	vld.idx.msk [tilespmem:v16+s11+$0x0], $0xffff  }
0x7c: {  	v14 =	vor.u32 v8, v14;
	_ =	sdelay $0x3  }
0x7d: {  	s20 =	sadd.s32 $0x40, s17;
	v15 =	vadd.s32 s19, v1  }
0x7e: {  	[tilespmem:v14+s13+$0x0] =	vst.idx.msk $0xffff, v13;
	v13 =	vmov s20  }
0x7f: {  	_ =	swait.ge [sflag:s14], $0x2000;
	v13 =	vshrl.u32 v13, $0x7  }
0x80: {  	[sflag:s14] =	ssyncset.done $0x0;
	v13 =	vshll.u32 v13, v2  }
0x81: {  	[sflag:s14] =	ssyncadd.s32 $0xFFFFE000;
	v14 =	vbroadcast v13, $0x0  }
0x82: {  	v13 =	vld.idx.msk [tilespmem:v15+s12+$0x0], $0xffff  }
0x83: {  	v15 =	vor.u32 v9, v14  }
0x84: {  	v16 =	vadd.s32 s19, v3;
	_ =	sdelay $0x3  }
0x85: {  	[tilespmem:v15+s13+$0x0] =	vst.idx.msk $0xffff, v13  }
0x86: {  	v13 =	vld.idx.msk [tilespmem:v16+s12+$0x0], $0xffff  }
0x87: {  	v15 =	vor.u32 v10, v14  }
0x88: {  	v16 =	vadd.s32 s19, v5;
	_ =	sdelay $0x3  }
0x89: {  	[tilespmem:v15+s13+$0x0] =	vst.idx.msk $0xffff, v13  }
0x8a: {  	v13 =	vld.idx.msk [tilespmem:v16+s12+$0x0], $0xffff  }
0x8b: {  	v15 =	vor.u32 v11, v14  }
0x8c: {  	v16 =	vadd.s32 s19, v7;
	_ =	sdelay $0x1  }
.Ltmp0:
0x8d: {  	(pc) =	sbr.rel @p0 .LBB2_2-.Ltmp0, $4  }
0x8e: {  	_ = 	snop  }
0x8f: {  	[tilespmem:v15+s13+$0x0] =	vst.idx.msk $0xffff, v13  }
0x90: {  	v13 =	vld.idx.msk [tilespmem:v16+s12+$0x0], $0xffff  }
0x91: {  	v14 =	vor.u32 v12, v14  }
0x92: {  	_ =	sdelay $0x1  }
0x93: {  	s15 =	sadd.s32 $0x1, s15  }
0x94: {  	p0 =	sne.s32 s15, s6  }
.Ltmp1:
0x95: {  	[tilespmem:v14+s13+$0x0] =	vst.idx.msk $0xffff, v13;
	(pc) =	sbr.rel @p0 .LBB2_1-.Ltmp1, $4  }
0x96: {  	[hbm4b:s5+s3] =	stream.linear.scatter [tilespmem:s13], [sflag:$0x3], $0x800, $0x38;
	[tilespmem:$0x4880] =	vst v63  }
0x97: {  	_ =	swait.ge [sflag:s7], $0x800  }
0x98: {  	[sflag:s7] =	ssyncset.done $0x0  }
0x99: {  	[sflag:s7] =	ssyncadd.s32 $0xFFFFF800  }
0x9a: {  	_ =	sfence.sel $0x180000  }
0x9b: {  	[bflag:$0x0] =	sbarrier.arrive $0xFFFF  }
0x9c: {  	p0 =	sne.s32 s2, $0x0;
	_ =	strace $0x90000047  }
0x9d: {  	s0 =	sadd.s32 @!p0 $0x100000, s0;
	[bflag:$0x2] =	sbarrier.arrive $0xFFFF  }
0x9e: {  	[sflag:s0] =	ssyncadd.tile.s32 @!p0 $0x1;
	_ =	shalt  }
.Lfunc_end2:
_tile_overlayer_lowered:
.L_overlay_start_2:
0x9f: {  	(tag) =	ssettag $0x2  }
0xa0: {  	s0 =	rddreg [dreg:$0x0];
	s2 =	stileid.u32  }
0xa1: {  	s1 =	rddreg [dreg:$0x1];
	p0 =	sne.s32 s2, $0x0  }
0xa2: {  	s3 =	rddreg [dreg:$0x2];
	[bflag:$0x3] =	sbarrier.arrive $0xFFFF;
	s2 =	simm.s32 @!p0 $0x1C03  }
0xa3: {  	[timem:s3], [sflag:s2] =	dma.local @!p0 [hbm:s0], s1  }
0xa4: {  	s0 =	simm.s32 @!p0 $0x3  }
0xa5: {  	_ =	swait.ge @!p0 [sflag:s0], s1  }
0xa6: {  	s1 =	ssub.s32 @!p0 $0x0, s1;
	[sflag:s0] =	ssyncset.done @!p0 $0x0  }
0xa7: {  	[sflag:s0] =	ssyncadd.s32 @!p0 s1  }
0xa8: {  	[bflag:$0x3] =	sbarrier.arrive $0xFFFF  }
0xa9: {  	_ =	shalt  }

// kernel: kernel.9.cloned.1.call-start
scs
__scs_entry_jumppad:
0x0: {  	(pc) =	sbr.rel $0x88, $3  }
0x1: {  	(tag) =	ssettag $0x0;
	lr =	simm.s32 $0x1  }
0x2: {  	[smem:$0x3F91] =	sst lr;
	_ =	strace $0xD0000000  }
0x3: {  	_ = 	snop  }
0x4: {  	_ = 	snop  }
0x5: {  	_ = 	snop  }
0x6: {  	_ = 	snop  }
0x7: {  	_ = 	snop  }
__scs_overlays_trampoline_lowered:
0x8: {  	[smem:$0x3FA0] =	sst s0  }
0x9: {  	[smem:$0x3FA1] =	sst s1  }
0xa: {  	[smem:$0x3FA2] =	sst s2  }
0xb: {  	[smem:$0x3FA3] =	sst s3  }
0xc: {  	[smem:$0x3FA4] =	sst s4  }
0xd: {  	[smem:$0x3FA5] =	sst s5  }
0xe: {  	[smem:$0x3FA6] =	sst s6  }
0xf: {  	[smem:$0x3FA7] =	sst s7  }
0x10: {  	[smem:$0x3FA8] =	sst s8  }
0x11: {  	[smem:$0x3FA9] =	sst s9;
	s0 =	simm.s32 @!p0 $0x0  }
0x12: {  	s1 =	sld [smem:$0x3F8F];
	s0 =	simm.s32 @p0 $0x1  }
0x13: {  	[smem:$0x3FAA] =	sst s0;
	s0 =	simm.s32 @!p1 $0x0  }
0x14: {  	s2 =	sld [smem:$0x3F8E];
	s0 =	simm.s32 @p1 $0x1  }
0x15: {  	[smem:$0x3FAB] =	sst s0;
	s0 =	simm.s32 @!p2 $0x0  }
0x16: {  	s3 =	sld [smem:$0x3FDB];
	s0 =	simm.s32 @p2 $0x1  }
0x17: {  	s4 =	simm.s32 $0x1BF5;
	[smem:$0x3FAD] =	sst s0  }
0x18: {  	s0 =	sld [smem:$0x3F90];
	_ =	swait.ge [sflag:s4], $0x0  }
0x19: {  	s7 =	sld [smem:$0x3F91]  }
0x1a: {  	s8 =	sadd.s32 $0xFFFFE003, lr  }
0x1b: {  	s9 =	sadd.s32 $0xFFFFFEF7, lr;
	s5 =	simm.s32 $0xFFFFFFFF;
	p2 =	slt.u32 s8, $0xFFFFF086  }
0x1c: {  	p1 =	slt.u32 s9, $0xF7A;
	s5 =	simm.s32 @!p2 $0x0  }
0x1d: {  	s5 =	simm.s32 @p1 $0x1;
	p0 =	seq.s32 s7, s2  }
0x1e: {  	s7 =	smul.u32 @!p0 $0xF7A, s2;
	p2 =	seq.s32 @!p0 s5, $0x0  }
0x1f: {  	s9 =	smul.u32 $0xF7A, s1;
	s8 =	simm.s32 @!p0 $0x1BF5;
	p2 =	por !p2, p0  }
0x20: {  	[sflag:s8] =	ssyncset.s32 @!p0 $0xFFFFF086;
	s6 =	sadd.s32 @!p0 s3, s7;
	s7 =	simm.s32 @!p0 $0x108  }
0x21: {  	s3 =	sadd.s32 s3, s9;
	s6 =	sadd.s32 @!p0 $0x88, s6;
	s7 =	simm.s32 @p2 $0x1082  }
0x22: {  	[simem:s7], [sflag:s8] =	dma.local @!p0 [hbm:s6], $0xF7A  }
0x23: {  	s9 =	sor.u32 $0xD0000000, s2;
	s6 =	simm.s32 $0x108;
	_ =	swait.ge @!p0 [sflag:s8], $0x0  }
0x24: {  	s3 =	sadd.s32 $0x88, s3;
	s6 =	simm.s32 @!p1 $0x1082;
	[sflag:s4] =	ssyncset.s32 $0xFFFFF086  }
0x25: {  	[simem:s6], [sflag:s4] =	dma.local [hbm:s3], $0xF7A  }
0x26: {  	[smem:$0x3F91] =	sst s1;
	(tag) =	ssettag s2;
	_ =	strace s9  }
0x27: {  	s1 =	sld [smem:$0x3FA1]  }
0x28: {  	s2 =	sld [smem:$0x3FA2]  }
0x29: {  	s4 =	sld [smem:$0x3FA4]  }
0x2a: {  	p0 =	seq.s32 s5, $0x0;
	s5 =	sld [smem:$0x3FA5]  }
0x2b: {  	s6 =	sld [smem:$0x3FA6]  }
0x2c: {  	s7 =	sld [smem:$0x3FA7]  }
0x2d: {  	s3 =	simm.s32 $0x108;
	s8 =	sld [smem:$0x3FA8]  }
0x2e: {  	s3 =	simm.s32 @!p0 $0x1082;
	s9 =	sld [smem:$0x3FA9]  }
0x2f: {  	lr =	sadd.s32 s0, s3;
	s0 =	sld [smem:$0x3FA0]  }
0x30: {  	s3 =	sld [smem:$0x3FA3]  }
0x31: {  	[smem:$0x3FAC] =	sst s10  }
0x32: {  	s10 =	sld [smem:$0x3FAA];
	_ =	sdelay $0x3  }
0x33: {  	p0 =	seq.s32 s10, $0x1;
	s10 =	sld [smem:$0x3FAC];
	_ =	sdelay $0x3  }
0x34: {  	[smem:$0x3FAC] =	sst s10  }
0x35: {  	s10 =	sld [smem:$0x3FAB];
	_ =	sdelay $0x3  }
0x36: {  	p1 =	seq.s32 s10, $0x1;
	s10 =	sld [smem:$0x3FAC];
	_ =	sdelay $0x3  }
0x37: {  	[smem:$0x3FAC] =	sst s10  }
0x38: {  	s10 =	sld [smem:$0x3FAD]  }
0x39: {  	_ = 	snop;
	(pc) =	sbr.ind lr, $3  }
0x3a: {  	_ = 	snop  }
0x3b: {  	_ = 	snop  }
0x3c: {  	p2 =	seq.s32 s10, $0x1;
	s10 =	sld [smem:$0x3FAC]  }
0x3d: {  	_ =	shalt  }
0x3e: {  	_ =	shalt  }
0x3f: {  	_ =	shalt  }
0x40: {  	_ =	shalt  }
0x41: {  	_ =	shalt  }
0x42: {  	_ =	shalt  }
0x43: {  	_ =	shalt  }
0x44: {  	_ =	shalt  }
0x45: {  	_ =	shalt  }
0x46: {  	_ =	shalt  }
0x47: {  	_ =	shalt  }
0x48: {  	_ =	shalt  }
0x49: {  	_ =	shalt  }
0x4a: {  	_ =	shalt  }
0x4b: {  	_ =	shalt  }
0x4c: {  	_ =	shalt  }
0x4d: {  	_ =	shalt  }
0x4e: {  	_ =	shalt  }
0x4f: {  	_ =	shalt  }
0x50: {  	_ =	shalt  }
0x51: {  	_ =	shalt  }
0x52: {  	_ =	shalt  }
0x53: {  	_ =	shalt  }
0x54: {  	_ =	shalt  }
0x55: {  	_ =	shalt  }
0x56: {  	_ =	shalt  }
0x57: {  	_ =	shalt  }
0x58: {  	_ =	shalt  }
0x59: {  	_ =	shalt  }
0x5a: {  	_ =	shalt  }
0x5b: {  	_ =	shalt  }
0x5c: {  	_ =	shalt  }
0x5d: {  	_ =	shalt  }
0x5e: {  	_ =	shalt  }
0x5f: {  	_ =	shalt  }
0x60: {  	_ =	shalt  }
0x61: {  	_ =	shalt  }
0x62: {  	_ =	shalt  }
0x63: {  	_ =	shalt  }
0x64: {  	_ =	shalt  }
0x65: {  	_ =	shalt  }
0x66: {  	_ =	shalt  }
0x67: {  	_ =	shalt  }
0x68: {  	_ =	shalt  }
0x69: {  	_ =	shalt  }
0x6a: {  	_ =	shalt  }
0x6b: {  	_ =	shalt  }
0x6c: {  	_ =	shalt  }
0x6d: {  	_ =	shalt  }
0x6e: {  	_ =	shalt  }
0x6f: {  	_ =	shalt  }
0x70: {  	_ =	shalt  }
0x71: {  	_ =	shalt  }
0x72: {  	_ =	shalt  }
0x73: {  	_ =	shalt  }
0x74: {  	_ =	shalt  }
0x75: {  	_ =	shalt  }
0x76: {  	_ =	shalt  }
0x77: {  	_ =	shalt  }
0x78: {  	_ =	shalt  }
0x79: {  	_ =	shalt  }
0x7a: {  	_ =	shalt  }
0x7b: {  	_ =	shalt  }
0x7c: {  	_ =	shalt  }
0x7d: {  	_ =	shalt  }
0x7e: {  	_ =	shalt  }
0x7f: {  	_ =	shalt  }
0x80: {  	_ =	shalt  }
0x81: {  	_ =	shalt  }
0x82: {  	_ =	shalt  }
0x83: {  	_ =	shalt  }
0x84: {  	_ =	shalt  }
0x85: {  	_ =	shalt  }
0x86: {  	_ =	shalt  }
0x87: {  	_ =	shalt  }
.Lfunc_end0:
.L_simem_size_0:
called_computation.1_lowered:
.L_overlay_start_0:
0x88: {  	s2 =	sld [smem:$0x3FD9]  }
0x89: {  	s3 =	sld [smem:$0x3FFE];
	_ =	sdelay $0x1  }
0x8a: {  	s1 =	srdreg.scid  }
0x8b: {  	s0 =	sand.u32 $0x1, s1  }
0x8c: {  	s17 =	sshll.u32 s0, $0xA;
	s2 =	sadd.s32 s3, s2  }
0x8d: {  	s2 =	sadd.s32 s2, s17  }
0x8e: {  	[smem:$0x3FB8] =	sst s2  }
0x8f: {  	_ = 	snop  }
0x90: {  	(tm) =	ssettm $0x1  }
0x91: {  	s18 =	sld [smem:$0x3FFB];
	_ =	sdelay $0x3  }
0x92: {  	_ =	strace s18  }
0x93: {  	s2 =	sld [smem:$0x3FFC];
	_ =	sdelay $0x3  }
0x94: {  	_ =	strace s2  }
0x95: {  	s2 =	sld [smem:$0x3FFD];
	_ =	sdelay $0x3  }
0x96: {  	_ =	strace s2  }
0x97: {  	_ =	strace $0x8FFFFFFF  }
0x98: {  	s19 =	sld [smem:$0x3FDB];
	_ =	sdelay $0x1  }
0x99: {  	s20 =	simm.s32 $_scs_section_size  }
0x9a: {  	s4 =	simm.s32 $_size__tile_overlayer_lowered;
	s5 =	simm.s32 $_tile_overlayer_lowered  }
0x9b: {  	s6 =	simm.s32 $0x1BFF;
	s21 =	sshll.u32 s5, $0x1;
	s3 =	sadd.s32 s20, s19  }
0x9c: {  	s22 =	simm.s32 $0x0;
	s4 =	sshll.u32 s4, $0x1;
	s5 =	sadd.s32 s21, s3  }
0x9d: {  	[timem:s22], [sflag:s6] =	dma.local [hbm:s5], s4  }
0x9e: {  	_ =	swait.ge [sflag:s6], s4  }
0x9f: {  	s4 =	ssub.s32 $0x0, s4;
	[sflag:s6] =	ssyncset.done $0x0  }
0xa0: {  	[sflag:s6] =	ssyncadd.s32 s4;
	_ =	sdelay $0x1  }
0xa1: {  	s23 =	simm.s32 $0x1B8B  }
0xa2: {  	_ =	swait.ge [sflag:s23], $0x1  }
0xa3: {  	[sflag:s23] =	ssyncset.done $0x0  }
0xa4: {  	[sflag:s23] =	ssyncadd.s32 $0xFFFFFFFF  }
0xa5: {  	s4 =	sld [smem:$0x0]  }
0xa6: {  	s5 =	sand.u32 $0xFFFFFFFE, s1  }
0xa7: {  	p0 =	sne.s32 s1, s5  }
0xa8: {  	s5 =	sshll.u32 @p0 s5, $0xE  }
0xa9: {  	s5 =	sadd.s32 @p0 $0x11B8D, s5;
	s6 =	sshll.u32 @p0 s4, $0x11  }
0xaa: {  	s5 =	sor.u32 @p0 s6, s5  }
0xab: {  	[sflag:s5] =	ssyncadd.remote.s32 @p0 $0x1;
	_ =	sdelay $0x1  }
0xac: {  	s5 =	simm.s32 @p0 $0x1B8D  }
0xad: {  	_ =	swait.eq @p0 [sflag:s5], $0x1  }
0xae: {  	[sflag:s5] =	ssyncadd.s32 @p0 $0xFFFFFFFF  }
0xaf: {  	s6 =	sshll.u32 @!p0 s1, $0xE  }
0xb0: {  	s6 =	sor.u32 @!p0 $0x4000, s6;
	s5 =	simm.s32 @!p0 $0x1B8D  }
0xb1: {  	s4 =	sshll.u32 @!p0 s4, $0x11;
	s6 =	sadd.s32 @!p0 $0x11B8D, s6;
	_ =	swait.eq @!p0 [sflag:s5], $0x1  }
0xb2: {  	s4 =	sor.u32 @!p0 s4, s6;
	[sflag:s5] =	ssyncadd.s32 @!p0 $0xFFFFFFFF  }
0xb3: {  	s25 =	simm.s32 $0x1B8E;
	s24 =	sld [smem:$0x3FFE];
	[sflag:s4] =	ssyncadd.remote.s32 @!p0 $0x1  }
0xb4: {  	s26 =	simm.s32 $execute0_lowered;
	[smem:$0x3FD2] =	sst s25  }
0xb5: {  	s5 =	sshll.u32 s26, $0x1;
	_ =	strace $0x80000049;
	[dreg:$0x1] =	wrdreg $0xFFFFFFFF  }
0xb6: {  	s28 =	simm.s32 $_size_execute0_lowered;
	s3 =	sadd.s32 s3, s5;
	[dreg:$0x0] =	wrdreg $0x0  }
0xb7: {  	s5 =	sshll.u32 s28, $0x1;
	[dreg:$0x2] =	wrdreg s3  }
0xb8: {  	[dreg:$0x3] =	wrdreg s5  }
0xb9: {  	[dreg:$0x4] =	wrdreg $0xC0  }
0xba: {  	_ =	task [dreg:s22], $0x5FFFF  }
0xbb: {  	[dreg:$0x1] =	wrdreg $0xFFFFFFFF  }
0xbc: {  	[dreg:$0x0] =	wrdreg $0x60  }
0xbd: {  	[dreg:$0x2] =	wrdreg s24  }
0xbe: {  	[dreg:$0x3] =	wrdreg $0xA  }
0xbf: {  	_ =	task.clear_ibuf [dreg:s22], $0x4FFFF;
	_ =	strace $0x90000049  }
0xc0: {  	s29 =	simm.s32 $0xA;
	_ =	strace $0x8000004B  }
0xc1: {  	_ =	swait.ge [sflag:s29], $0x1  }
0xc2: {  	[sflag:s29] =	ssyncadd.s32 $0xFFFFFFFF  }
0xc3: {  	_ =	strace $0x9000004B  }
0xc4: {  	_ =	sfence  }
0xc5: {  	s30 =	sld [smem:$0x0];
	_ =	sdelay $0x2  }
0xc6: {  	s31 =	sshll.u32 s1, $0xD;
	s1 =	sshrl.u32 s1, $0x2  }
0xc7: {  	s4 =	sand.u32 $0x4000, s31;
	s1 =	sadd.s32 s1, s30  }
0xc8: {  	s0 =	sor.u32 s4, s0;
	s1 =	sshll.u32 s1, $0x11  }
0xc9: {  	s0 =	sor.u32 s1, s0  }
0xca: {  	s0 =	sadd.s32 $0x8F2B, s0  }
0xcb: {  	[sflag:s0] =	ssyncadd.remote.s32 $0x1  }
0xcc: {  	_ =	sfence.sel $0xFFFF  }
0xcd: {  	[dreg:$0x0] =	wrdreg $0xFFFFFFFF;
	(pc) =	sbr.abs _section_cstart, $3  }
0xce: {  	[dreg:$0x1] =	wrdreg $0xFFFFFFFF  }
0xcf: {  	_ =	task.clear_ibuf [dreg:s22], $0x2FFFF;
	_ =	strace $0x9FFFFFFF  }
0xd0: {  	(tm) =	ssettm $0x7FFFFFFF  }
0xd1: {  	_ =	shalt  }
tec
execute0_lowered:
.L_overlay_start_1:
0x0: {  	(tag) =	ssettag $0x1  }
0x1: {  	s0 =	srdreg.scid  }
0x2: {  	s17 =	stileid.u32;
	s3 =	rddreg [dreg:$0x0]  }
0x3: {  	s2 =	simm.s32 $0x0;
	s23 =	simm.s32 $0xA0;
	s24 =	simm.s32 $0xF0  }
0x4: {  	s8 =	simm.s32 $0x2E80;
	s25 =	simm.s32 $0x140;
	s9 =	simm.s32 $0x5680  }
0x5: {  	s26 =	simm.s32 $0x190;
	s10 =	simm.s32 $0x7E80;
	s11 =	simm.s32 $0xA680  }
0x6: {  	s12 =	simm.s32 $0xCE80;
	s29 =	simm.s32 $0x1E0;
	s13 =	simm.s32 $0xF680  }
0x7: {  	s30 =	simm.s32 $0x230;
	s14 =	simm.s32 $0x11E80;
	s31 =	simm.s32 $0x280  }
0x8: {  	s15 =	simm.s32 $0x14680;
	s18 =	simm.s32 $0x2D0;
	s16 =	simm.s32 $0x16E80  }
0x9: {  	s19 =	simm.s32 $0x370;
	s20 =	simm.s32 $0x3C0;
	[smem:$0x7FF] =	sst s2  }
0xa: {  	p0 =	por $0x0, $0x0;
	_ =	strace $0x8000004A;
	[dreg:$0x5] =	wrdreg s23  }
0xb: {  	s28 =	simm.s32 $0x5F0;
	s0 =	sand.u32 $0x1, s0;
	[dreg:$0x6] =	wrdreg s24  }
0xc: {  	s1 =	sshll.u32 s17, $0x1;
	s6 =	sadd.s32 $0x408200, s3;
	[dreg:$0x7] =	wrdreg s25  }
0xd: {  	s1 =	sor.u32 s0, s1;
	s0 =	ssub.s32 $0x2, s0;
	[dreg:$0x8] =	wrdreg s26  }
0xe: {  	s23 =	simm.s32 $0x4B0;
	s24 =	simm.s32 $0x500;
	s4 =	smul.u32 $0xC8, s1  }
0xf: {  	s25 =	simm.s32 $0x550;
	s5 =	smul.u32 $0x32000, s1;
	s7 =	sshrl.u32 s0, $0x1  }
0x10: {  	s26 =	simm.s32 $0x5A0;
	s1 =	smul.u32 $0x6400, s1;
	s0 =	ssub.s32 s0, s7  }
0x11: {  	s7 =	simm.s32 $0x50;
	s4 =	sadd.s32 s4, s3;
	s0 =	smax.u32 s0, $0x1  }
0x12: {  	s5 =	sshrl.u32 s5, $0x3;
	s1 =	sadd.s32 s6, s1;
	p1 =	sne.s32 s0, $0x1  }
.Ltmp0:
0x13: {  	s4 =	sadd.s32 $0x6800, s4;
	s21 =	sadd.s32 s6, s5;
	(pc) =	sbr.rel @!p1 .LBB2_1-.Ltmp0, $4  }
0x14: {  	[dreg:$0x3] =	wrdreg s1;
	s6 =	sadd.s32 $0x8200, s3;
	s3 =	simm.s32 $0x2  }
0x15: {  	s5 =	simm.s32 $0x1;
	[dreg:$0x2] =	wrdreg s4;
	s22 =	sadd.s32 $0x3200, s21  }
0x16: {  	s1 =	sadd.s32 $0xFFFFFFFF, s0;
	s4 =	simm.s32 $0x680;
	[dreg:$0x4] =	wrdreg s22  }
0x17: {  	s21 =	simm.s32 $0x410;
	s22 =	simm.s32 $0x460;
	s0 =	rddreg [dreg:$0x2]  }
0x18: {  	[tilespmem:s2], [sflag:$0x2] =	stream.linear.gather [hbm4b:s0+s2], $0x640, $0x38;
	[tilespmem:$0x19680] =	vst v63  }
0x19: {  	_ =	swait.ge [sflag:s3], $0x640  }
0x1a: {  	[sflag:s3] =	ssyncset.done $0x0  }
0x1b: {  	[sflag:s3] =	ssyncadd.s32 $0xFFFFF9C0  }
0x1c: {  	[tilespmem:s4], [sflag:$0x1] =	stream.indirect.gather [hbm4b:s6+s7], $0x80, s2, s7, $0xb8;
	[tilespmem:$0x19680] =	vst v63  }
0x1d: {  	_ = 	snop  }
0x1e: {  	[tilespmem:s8], [sflag:$0x1] =	stream.indirect.gather [hbm4b:s6+s7], $0x80, s7, s7, $0xb8;
	[tilespmem:$0x19680] =	vst v63  }
0x1f: {  	s0 =	rddreg [dreg:$0x5]  }
0x20: {  	[tilespmem:s9], [sflag:$0x1] =	stream.indirect.gather [hbm4b:s6+s7], $0x80, s0, s7, $0xb8;
	[tilespmem:$0x19680] =	vst v63  }
0x21: {  	s17 =	smov.u32 s1;
	s1 =	rddreg [dreg:$0x6]  }
0x22: {  	[tilespmem:s10], [sflag:$0x1] =	stream.indirect.gather [hbm4b:s6+s7], $0x80, s1, s7, $0xb8;
	[tilespmem:$0x19680] =	vst v63  }
0x23: {  	s0 =	rddreg [dreg:$0x7]  }
0x24: {  	[tilespmem:s11], [sflag:$0x1] =	stream.indirect.gather [hbm4b:s6+s7], $0x80, s0, s7, $0xb8;
	[tilespmem:$0x19680] =	vst v63  }
0x25: {  	s1 =	rddreg [dreg:$0x8]  }
0x26: {  	[tilespmem:s12], [sflag:$0x1] =	stream.indirect.gather [hbm4b:s6+s7], $0x80, s1, s7, $0xb8;
	[tilespmem:$0x19680] =	vst v63  }
0x27: {  	_ = 	snop  }
0x28: {  	[tilespmem:s13], [sflag:$0x1] =	stream.indirect.gather [hbm4b:s6+s7], $0x80, s29, s7, $0xb8;
	[tilespmem:$0x19680] =	vst v63  }
0x29: {  	_ = 	snop  }
0x2a: {  	[tilespmem:s14], [sflag:$0x1] =	stream.indirect.gather [hbm4b:s6+s7], $0x80, s30, s7, $0xb8;
	[tilespmem:$0x19680] =	vst v63  }
0x2b: {  	_ = 	snop  }
0x2c: {  	[tilespmem:s15], [sflag:$0x1] =	stream.indirect.gather [hbm4b:s6+s7], $0x80, s31, s7, $0xb8;
	[tilespmem:$0x19680] =	vst v63  }
0x2d: {  	_ = 	snop  }
0x2e: {  	[tilespmem:s16], [sflag:$0x1] =	stream.indirect.gather [hbm4b:s6+s7], $0x80, s18, s7, $0xb8;
	[tilespmem:$0x19680] =	vst v63  }
0x2f: {  	_ =	swait.ge [sflag:s5], $0x2800  }
0x30: {  	[sflag:s5] =	ssyncset.done $0x0  }
0x31: {  	[sflag:s5] =	ssyncadd.s32 $0xFFFFD800  }
0x32: {  	_ =	swait.ge [sflag:s5], $0x2800  }
0x33: {  	[sflag:s5] =	ssyncset.done $0x0  }
0x34: {  	[sflag:s5] =	ssyncadd.s32 $0xFFFFD800  }
0x35: {  	_ =	swait.ge [sflag:s5], $0x2800  }
0x36: {  	[sflag:s5] =	ssyncset.done $0x0  }
0x37: {  	[sflag:s5] =	ssyncadd.s32 $0xFFFFD800  }
0x38: {  	_ =	swait.ge [sflag:s5], $0x2800  }
0x39: {  	[sflag:s5] =	ssyncset.done $0x0  }
0x3a: {  	[sflag:s5] =	ssyncadd.s32 $0xFFFFD800  }
0x3b: {  	_ =	swait.ge [sflag:s5], $0x2800  }
0x3c: {  	[sflag:s5] =	ssyncset.done $0x0  }
0x3d: {  	[sflag:s5] =	ssyncadd.s32 $0xFFFFD800  }
0x3e: {  	_ =	swait.ge [sflag:s5], $0x2800  }
0x3f: {  	[sflag:s5] =	ssyncset.done $0x0  }
0x40: {  	[sflag:s5] =	ssyncadd.s32 $0xFFFFD800  }
0x41: {  	_ =	swait.ge [sflag:s5], $0x2800  }
0x42: {  	[sflag:s5] =	ssyncset.done $0x0  }
0x43: {  	[sflag:s5] =	ssyncadd.s32 $0xFFFFD800  }
0x44: {  	_ =	swait.ge [sflag:s5], $0x2800  }
0x45: {  	[sflag:s5] =	ssyncset.done $0x0  }
0x46: {  	[sflag:s5] =	ssyncadd.s32 $0xFFFFD800  }
0x47: {  	_ =	swait.ge [sflag:s5], $0x2800  }
0x48: {  	[sflag:s5] =	ssyncset.done $0x0  }
0x49: {  	[sflag:s5] =	ssyncadd.s32 $0xFFFFD800  }
0x4a: {  	_ =	swait.ge [sflag:s5], $0x2800  }
0x4b: {  	[sflag:s5] =	ssyncset.done $0x0  }
0x4c: {  	s1 =	rddreg [dreg:$0x3];
	[sflag:s5] =	ssyncadd.s32 $0xFFFFD800  }
0x4d: {  	[hbm4b:s1+s2] =	stream.linear.scatter [tilespmem:s4], [sflag:$0x2], $0x19000, $0x38;
	[tilespmem:$0x19680] =	vst v63  }
0x4e: {  	_ =	swait.ge [sflag:s3], $0x19000  }
0x4f: {  	[sflag:s3] =	ssyncset.done $0x0  }
0x50: {  	s1 =	simm.s32 $0x320;
	[sflag:s3] =	ssyncadd.s32 $0xFFFE7000  }
0x51: {  	[tilespmem:s4], [sflag:$0x1] =	stream.indirect.gather [hbm4b:s6+s7], $0x80, s1, s7, $0xb8;
	[tilespmem:$0x19680] =	vst v63  }
0x52: {  	_ = 	snop  }
0x53: {  	[tilespmem:s8], [sflag:$0x1] =	stream.indirect.gather [hbm4b:s6+s7], $0x80, s19, s7, $0xb8;
	[tilespmem:$0x19680] =	vst v63  }
0x54: {  	_ = 	snop  }
0x55: {  	[tilespmem:s9], [sflag:$0x1] =	stream.indirect.gather [hbm4b:s6+s7], $0x80, s20, s7, $0xb8;
	[tilespmem:$0x19680] =	vst v63  }
0x56: {  	_ = 	snop  }
0x57: {  	[tilespmem:s10], [sflag:$0x1] =	stream.indirect.gather [hbm4b:s6+s7], $0x80, s21, s7, $0xb8;
	[tilespmem:$0x19680] =	vst v63  }
0x58: {  	_ = 	snop  }
0x59: {  	[tilespmem:s11], [sflag:$0x1] =	stream.indirect.gather [hbm4b:s6+s7], $0x80, s22, s7, $0xb8;
	[tilespmem:$0x19680] =	vst v63  }
0x5a: {  	_ = 	snop  }
0x5b: {  	[tilespmem:s12], [sflag:$0x1] =	stream.indirect.gather [hbm4b:s6+s7], $0x80, s23, s7, $0xb8;
	[tilespmem:$0x19680] =	vst v63  }
0x5c: {  	_ = 	snop  }
0x5d: {  	[tilespmem:s13], [sflag:$0x1] =	stream.indirect.gather [hbm4b:s6+s7], $0x80, s24, s7, $0xb8;
	[tilespmem:$0x19680] =	vst v63  }
0x5e: {  	_ = 	snop  }
0x5f: {  	[tilespmem:s14], [sflag:$0x1] =	stream.indirect.gather [hbm4b:s6+s7], $0x80, s25, s7, $0xb8;
	[tilespmem:$0x19680] =	vst v63  }
0x60: {  	_ = 	snop  }
0x61: {  	[tilespmem:s15], [sflag:$0x1] =	stream.indirect.gather [hbm4b:s6+s7], $0x80, s26, s7, $0xb8;
	[tilespmem:$0x19680] =	vst v63  }
0x62: {  	_ = 	snop  }
0x63: {  	[tilespmem:s16], [sflag:$0x1] =	stream.indirect.gather [hbm4b:s6+s7], $0x80, s28, s7, $0xb8;
	[tilespmem:$0x19680] =	vst v63  }
0x64: {  	_ =	swait.ge [sflag:s5], $0x2800  }
0x65: {  	[sflag:s5] =	ssyncset.done $0x0  }
0x66: {  	[sflag:s5] =	ssyncadd.s32 $0xFFFFD800  }
0x67: {  	_ =	swait.ge [sflag:s5], $0x2800  }
0x68: {  	[sflag:s5] =	ssyncset.done $0x0  }
0x69: {  	[sflag:s5] =	ssyncadd.s32 $0xFFFFD800  }
0x6a: {  	_ =	swait.ge [sflag:s5], $0x2800  }
0x6b: {  	[sflag:s5] =	ssyncset.done $0x0  }
0x6c: {  	[sflag:s5] =	ssyncadd.s32 $0xFFFFD800  }
0x6d: {  	_ =	swait.ge [sflag:s5], $0x2800  }
0x6e: {  	[sflag:s5] =	ssyncset.done $0x0  }
0x6f: {  	[sflag:s5] =	ssyncadd.s32 $0xFFFFD800  }
0x70: {  	_ =	swait.ge [sflag:s5], $0x2800  }
0x71: {  	[sflag:s5] =	ssyncset.done $0x0  }
0x72: {  	[sflag:s5] =	ssyncadd.s32 $0xFFFFD800  }
0x73: {  	_ =	swait.ge [sflag:s5], $0x2800  }
0x74: {  	[sflag:s5] =	ssyncset.done $0x0  }
0x75: {  	[sflag:s5] =	ssyncadd.s32 $0xFFFFD800  }
0x76: {  	_ =	swait.ge [sflag:s5], $0x2800  }
0x77: {  	[sflag:s5] =	ssyncset.done $0x0  }
0x78: {  	[sflag:s5] =	ssyncadd.s32 $0xFFFFD800  }
0x79: {  	_ =	swait.ge [sflag:s5], $0x2800  }
0x7a: {  	[sflag:s5] =	ssyncset.done $0x0  }
0x7b: {  	[sflag:s5] =	ssyncadd.s32 $0xFFFFD800  }
0x7c: {  	_ =	swait.ge [sflag:s5], $0x2800  }
0x7d: {  	[sflag:s5] =	ssyncset.done $0x0  }
0x7e: {  	[sflag:s5] =	ssyncadd.s32 $0xFFFFD800  }
0x7f: {  	p1 =	sne.s32 s17, $0x1;
	_ =	swait.ge [sflag:s5], $0x2800  }
.Ltmp1:
0x80: {  	[sflag:s5] =	ssyncset.done $0x0;
	(pc) =	sbr.rel @!p1 .LBB2_3-.Ltmp1, $4  }
0x81: {  	s1 =	rddreg [dreg:$0x4];
	[sflag:s5] =	ssyncadd.s32 $0xFFFFD800  }
0x82: {  	[hbm4b:s1+s2] =	stream.linear.scatter [tilespmem:s4], [sflag:$0x2], $0x19000, $0x38;
	[tilespmem:$0x19680] =	vst v63  }
0x83: {  	p0 =	por $0x1, $0x1;
	_ =	swait.ge [sflag:s3], $0x19000  }
0x84: {  	s1 =	sadd.s32 $0xFFFFFFFF, s17;
	s0 =	rddreg [dreg:$0x2];
	[sflag:s3] =	ssyncset.done $0x0  }
.LBB2_4:
0x85: {  	[sflag:s3] =	ssyncadd.s32 $0xFFFE7000  }
0x86: {  	[tilespmem:s2], [sflag:$0x2] =	stream.linear.gather [hbm4b:s0+s2], $0x640, $0x38;
	[tilespmem:$0x19680] =	vst v63  }
0x87: {  	_ =	swait.ge [sflag:s3], $0x640  }
0x88: {  	[sflag:s3] =	ssyncset.done $0x0  }
0x89: {  	[sflag:s3] =	ssyncadd.s32 $0xFFFFF9C0  }
0x8a: {  	[tilespmem:s4], [sflag:$0x1] =	stream.indirect.gather [hbm4b:s6+s7], $0x80, s2, s7, $0xb8;
	[tilespmem:$0x19680] =	vst v63  }
0x8b: {  	_ = 	snop  }
0x8c: {  	[tilespmem:s8], [sflag:$0x1] =	stream.indirect.gather [hbm4b:s6+s7], $0x80, s7, s7, $0xb8;
	[tilespmem:$0x19680] =	vst v63  }
0x8d: {  	s0 =	rddreg [dreg:$0x5]  }
0x8e: {  	[tilespmem:s9], [sflag:$0x1] =	stream.indirect.gather [hbm4b:s6+s7], $0x80, s0, s7, $0xb8;
	[tilespmem:$0x19680] =	vst v63  }
0x8f: {  	s17 =	rddreg [dreg:$0x6]  }
0x90: {  	[tilespmem:s10], [sflag:$0x1] =	stream.indirect.gather [hbm4b:s6+s7], $0x80, s17, s7, $0xb8;
	[tilespmem:$0x19680] =	vst v63  }
0x91: {  	s0 =	rddreg [dreg:$0x7]  }
0x92: {  	[tilespmem:s11], [sflag:$0x1] =	stream.indirect.gather [hbm4b:s6+s7], $0x80, s0, s7, $0xb8;
	[tilespmem:$0x19680] =	vst v63  }
0x93: {  	s17 =	rddreg [dreg:$0x8]  }
0x94: {  	[tilespmem:s12], [sflag:$0x1] =	stream.indirect.gather [hbm4b:s6+s7], $0x80, s17, s7, $0xb8;
	[tilespmem:$0x19680] =	vst v63  }
0x95: {  	_ = 	snop  }
0x96: {  	[tilespmem:s13], [sflag:$0x1] =	stream.indirect.gather [hbm4b:s6+s7], $0x80, s29, s7, $0xb8;
	[tilespmem:$0x19680] =	vst v63  }
0x97: {  	_ = 	snop  }
0x98: {  	[tilespmem:s14], [sflag:$0x1] =	stream.indirect.gather [hbm4b:s6+s7], $0x80, s30, s7, $0xb8;
	[tilespmem:$0x19680] =	vst v63  }
0x99: {  	_ = 	snop  }
0x9a: {  	[tilespmem:s15], [sflag:$0x1] =	stream.indirect.gather [hbm4b:s6+s7], $0x80, s31, s7, $0xb8;
	[tilespmem:$0x19680] =	vst v63  }
0x9b: {  	_ = 	snop  }
0x9c: {  	[tilespmem:s16], [sflag:$0x1] =	stream.indirect.gather [hbm4b:s6+s7], $0x80, s18, s7, $0xb8;
	[tilespmem:$0x19680] =	vst v63  }
0x9d: {  	_ =	swait.ge [sflag:s5], $0x2800  }
0x9e: {  	[sflag:s5] =	ssyncset.done $0x0  }
0x9f: {  	[sflag:s5] =	ssyncadd.s32 $0xFFFFD800  }
0xa0: {  	_ =	swait.ge [sflag:s5], $0x2800  }
0xa1: {  	[sflag:s5] =	ssyncset.done $0x0  }
0xa2: {  	[sflag:s5] =	ssyncadd.s32 $0xFFFFD800  }
0xa3: {  	_ =	swait.ge [sflag:s5], $0x2800  }
0xa4: {  	[sflag:s5] =	ssyncset.done $0x0  }
0xa5: {  	[sflag:s5] =	ssyncadd.s32 $0xFFFFD800  }
0xa6: {  	_ =	swait.ge [sflag:s5], $0x2800  }
0xa7: {  	[sflag:s5] =	ssyncset.done $0x0  }
0xa8: {  	[sflag:s5] =	ssyncadd.s32 $0xFFFFD800  }
0xa9: {  	_ =	swait.ge [sflag:s5], $0x2800  }
0xaa: {  	[sflag:s5] =	ssyncset.done $0x0  }
0xab: {  	[sflag:s5] =	ssyncadd.s32 $0xFFFFD800  }
0xac: {  	_ =	swait.ge [sflag:s5], $0x2800  }
0xad: {  	[sflag:s5] =	ssyncset.done $0x0  }
0xae: {  	[sflag:s5] =	ssyncadd.s32 $0xFFFFD800  }
0xaf: {  	_ =	swait.ge [sflag:s5], $0x2800  }
0xb0: {  	[sflag:s5] =	ssyncset.done $0x0  }
0xb1: {  	[sflag:s5] =	ssyncadd.s32 $0xFFFFD800  }
0xb2: {  	_ =	swait.ge [sflag:s5], $0x2800  }
0xb3: {  	[sflag:s5] =	ssyncset.done $0x0  }
0xb4: {  	[sflag:s5] =	ssyncadd.s32 $0xFFFFD800  }
0xb5: {  	_ =	swait.ge [sflag:s5], $0x2800  }
0xb6: {  	[sflag:s5] =	ssyncset.done $0x0  }
0xb7: {  	[sflag:s5] =	ssyncadd.s32 $0xFFFFD800  }
0xb8: {  	_ =	swait.ge [sflag:s5], $0x2800  }
0xb9: {  	[sflag:s5] =	ssyncset.done $0x0  }
0xba: {  	s17 =	rddreg [dreg:$0x3];
	[sflag:s5] =	ssyncadd.s32 $0xFFFFD800  }
0xbb: {  	[hbm4b:s17+s2] =	stream.linear.scatter [tilespmem:s4], [sflag:$0x2], $0x19000, $0x38;
	[tilespmem:$0x19680] =	vst v63  }
0xbc: {  	_ =	swait.ge [sflag:s3], $0x19000  }
0xbd: {  	[sflag:s3] =	ssyncset.done $0x0  }
0xbe: {  	s17 =	simm.s32 $0x320;
	[sflag:s3] =	ssyncadd.s32 $0xFFFE7000  }
0xbf: {  	[tilespmem:s4], [sflag:$0x1] =	stream.indirect.gather [hbm4b:s6+s7], $0x80, s17, s7, $0xb8;
	[tilespmem:$0x19680] =	vst v63  }
0xc0: {  	_ = 	snop  }
0xc1: {  	[tilespmem:s8], [sflag:$0x1] =	stream.indirect.gather [hbm4b:s6+s7], $0x80, s19, s7, $0xb8;
	[tilespmem:$0x19680] =	vst v63  }
0xc2: {  	_ = 	snop  }
0xc3: {  	[tilespmem:s9], [sflag:$0x1] =	stream.indirect.gather [hbm4b:s6+s7], $0x80, s20, s7, $0xb8;
	[tilespmem:$0x19680] =	vst v63  }
0xc4: {  	_ = 	snop  }
0xc5: {  	[tilespmem:s10], [sflag:$0x1] =	stream.indirect.gather [hbm4b:s6+s7], $0x80, s21, s7, $0xb8;
	[tilespmem:$0x19680] =	vst v63  }
0xc6: {  	_ = 	snop  }
0xc7: {  	[tilespmem:s11], [sflag:$0x1] =	stream.indirect.gather [hbm4b:s6+s7], $0x80, s22, s7, $0xb8;
	[tilespmem:$0x19680] =	vst v63  }
0xc8: {  	_ = 	snop  }
0xc9: {  	[tilespmem:s12], [sflag:$0x1] =	stream.indirect.gather [hbm4b:s6+s7], $0x80, s23, s7, $0xb8;
	[tilespmem:$0x19680] =	vst v63  }
0xca: {  	_ = 	snop  }
0xcb: {  	[tilespmem:s13], [sflag:$0x1] =	stream.indirect.gather [hbm4b:s6+s7], $0x80, s24, s7, $0xb8;
	[tilespmem:$0x19680] =	vst v63  }
0xcc: {  	_ = 	snop  }
0xcd: {  	[tilespmem:s14], [sflag:$0x1] =	stream.indirect.gather [hbm4b:s6+s7], $0x80, s25, s7, $0xb8;
	[tilespmem:$0x19680] =	vst v63  }
0xce: {  	_ = 	snop  }
0xcf: {  	[tilespmem:s15], [sflag:$0x1] =	stream.indirect.gather [hbm4b:s6+s7], $0x80, s26, s7, $0xb8;
	[tilespmem:$0x19680] =	vst v63  }
0xd0: {  	_ = 	snop  }
0xd1: {  	[tilespmem:s16], [sflag:$0x1] =	stream.indirect.gather [hbm4b:s6+s7], $0x80, s28, s7, $0xb8;
	[tilespmem:$0x19680] =	vst v63  }
0xd2: {  	_ =	swait.ge [sflag:s5], $0x2800  }
0xd3: {  	[sflag:s5] =	ssyncset.done $0x0  }
0xd4: {  	[sflag:s5] =	ssyncadd.s32 $0xFFFFD800  }
0xd5: {  	_ =	swait.ge [sflag:s5], $0x2800  }
0xd6: {  	[sflag:s5] =	ssyncset.done $0x0  }
0xd7: {  	[sflag:s5] =	ssyncadd.s32 $0xFFFFD800  }
0xd8: {  	_ =	swait.ge [sflag:s5], $0x2800  }
0xd9: {  	[sflag:s5] =	ssyncset.done $0x0  }
0xda: {  	[sflag:s5] =	ssyncadd.s32 $0xFFFFD800  }
0xdb: {  	_ =	swait.ge [sflag:s5], $0x2800  }
0xdc: {  	[sflag:s5] =	ssyncset.done $0x0  }
0xdd: {  	[sflag:s5] =	ssyncadd.s32 $0xFFFFD800  }
0xde: {  	_ =	swait.ge [sflag:s5], $0x2800  }
0xdf: {  	[sflag:s5] =	ssyncset.done $0x0  }
0xe0: {  	[sflag:s5] =	ssyncadd.s32 $0xFFFFD800  }
0xe1: {  	_ =	swait.ge [sflag:s5], $0x2800  }
0xe2: {  	[sflag:s5] =	ssyncset.done $0x0  }
0xe3: {  	[sflag:s5] =	ssyncadd.s32 $0xFFFFD800  }
0xe4: {  	_ =	swait.ge [sflag:s5], $0x2800  }
0xe5: {  	[sflag:s5] =	ssyncset.done $0x0  }
0xe6: {  	[sflag:s5] =	ssyncadd.s32 $0xFFFFD800  }
0xe7: {  	_ =	swait.ge [sflag:s5], $0x2800  }
0xe8: {  	[sflag:s5] =	ssyncset.done $0x0  }
0xe9: {  	[sflag:s5] =	ssyncadd.s32 $0xFFFFD800  }
0xea: {  	_ =	swait.ge [sflag:s5], $0x2800  }
0xeb: {  	[sflag:s5] =	ssyncset.done $0x0  }
0xec: {  	[sflag:s5] =	ssyncadd.s32 $0xFFFFD800  }
0xed: {  	p1 =	sne.s32 s1, $0x1;
	_ =	swait.ge [sflag:s5], $0x2800  }
.Ltmp2:
0xee: {  	[sflag:s5] =	ssyncset.done $0x0;
	(pc) =	sbr.rel @p1 .LBB2_4-.Ltmp2, $4  }
0xef: {  	s17 =	rddreg [dreg:$0x4];
	[sflag:s5] =	ssyncadd.s32 $0xFFFFD800  }
0xf0: {  	[hbm4b:s17+s2] =	stream.linear.scatter [tilespmem:s4], [sflag:$0x2], $0x19000, $0x38;
	[tilespmem:$0x19680] =	vst v63  }
0xf1: {  	_ =	swait.ge [sflag:s3], $0x19000  }
0xf2: {  	s1 =	sadd.s32 $0xFFFFFFFF, s1;
	s0 =	rddreg [dreg:$0x2];
	[sflag:s3] =	ssyncset.done $0x0  }
0xf3: {  	s28 =	simm.s32 $0x2D0;
	s31 =	simm.s32 $0x280  }
0xf4: {  	s30 =	simm.s32 $0x230;
	s29 =	simm.s32 $0x1E0;
	s26 =	simm.s32 $0x5A0  }
0xf5: {  	s25 =	simm.s32 $0x550;
	s24 =	simm.s32 $0x500;
	s23 =	simm.s32 $0x4B0  }
0xf6: {  	s22 =	simm.s32 $0x460;
	s21 =	simm.s32 $0x410;
	s20 =	simm.s32 $0x3C0  }
0xf7: {  	s19 =	simm.s32 $0x370;
	s18 =	simm.s32 $0x320;
	s17 =	stileid.u32  }
.LBB2_6:
0xf8: {  	[sflag:s3] =	ssyncadd.s32 @p0 $0xFFFE7000  }
0xf9: {  	[tilespmem:s2], [sflag:$0x2] =	stream.linear.gather [hbm4b:s0+s2], $0x640, $0x38;
	[tilespmem:$0x19680] =	vst v63  }
0xfa: {  	_ =	swait.ge [sflag:s3], $0x640  }
0xfb: {  	[sflag:s3] =	ssyncset.done $0x0  }
0xfc: {  	[sflag:s3] =	ssyncadd.s32 $0xFFFFF9C0  }
0xfd: {  	[tilespmem:s4], [sflag:$0x1] =	stream.indirect.gather [hbm4b:s6+s7], $0x80, s2, s7, $0xb8;
	[tilespmem:$0x19680] =	vst v63  }
0xfe: {  	_ = 	snop  }
0xff: {  	[tilespmem:s8], [sflag:$0x1] =	stream.indirect.gather [hbm4b:s6+s7], $0x80, s7, s7, $0xb8;
	[tilespmem:$0x19680] =	vst v63  }
0x100: {  	s0 =	rddreg [dreg:$0x5]  }
0x101: {  	[tilespmem:s9], [sflag:$0x1] =	stream.indirect.gather [hbm4b:s6+s7], $0x80, s0, s7, $0xb8;
	[tilespmem:$0x19680] =	vst v63  }
0x102: {  	s1 =	rddreg [dreg:$0x6]  }
0x103: {  	[tilespmem:s10], [sflag:$0x1] =	stream.indirect.gather [hbm4b:s6+s7], $0x80, s1, s7, $0xb8;
	[tilespmem:$0x19680] =	vst v63  }
0x104: {  	s0 =	rddreg [dreg:$0x7]  }
0x105: {  	[tilespmem:s11], [sflag:$0x1] =	stream.indirect.gather [hbm4b:s6+s7], $0x80, s0, s7, $0xb8;
	[tilespmem:$0x19680] =	vst v63  }
0x106: {  	s1 =	rddreg [dreg:$0x8]  }
0x107: {  	[tilespmem:s12], [sflag:$0x1] =	stream.indirect.gather [hbm4b:s6+s7], $0x80, s1, s7, $0xb8;
	[tilespmem:$0x19680] =	vst v63  }
0x108: {  	_ = 	snop  }
0x109: {  	[tilespmem:s13], [sflag:$0x1] =	stream.indirect.gather [hbm4b:s6+s7], $0x80, s29, s7, $0xb8;
	[tilespmem:$0x19680] =	vst v63  }
0x10a: {  	_ = 	snop  }
0x10b: {  	[tilespmem:s14], [sflag:$0x1] =	stream.indirect.gather [hbm4b:s6+s7], $0x80, s30, s7, $0xb8;
	[tilespmem:$0x19680] =	vst v63  }
0x10c: {  	_ = 	snop  }
0x10d: {  	[tilespmem:s15], [sflag:$0x1] =	stream.indirect.gather [hbm4b:s6+s7], $0x80, s31, s7, $0xb8;
	[tilespmem:$0x19680] =	vst v63  }
0x10e: {  	_ = 	snop  }
0x10f: {  	[tilespmem:s16], [sflag:$0x1] =	stream.indirect.gather [hbm4b:s6+s7], $0x80, s28, s7, $0xb8;
	[tilespmem:$0x19680] =	vst v63  }
0x110: {  	_ =	swait.ge [sflag:s5], $0x2800  }
0x111: {  	[sflag:s5] =	ssyncset.done $0x0  }
0x112: {  	[sflag:s5] =	ssyncadd.s32 $0xFFFFD800  }
0x113: {  	_ =	swait.ge [sflag:s5], $0x2800  }
0x114: {  	[sflag:s5] =	ssyncset.done $0x0  }
0x115: {  	[sflag:s5] =	ssyncadd.s32 $0xFFFFD800  }
0x116: {  	_ =	swait.ge [sflag:s5], $0x2800  }
0x117: {  	[sflag:s5] =	ssyncset.done $0x0  }
0x118: {  	[sflag:s5] =	ssyncadd.s32 $0xFFFFD800  }
0x119: {  	_ =	swait.ge [sflag:s5], $0x2800  }
0x11a: {  	[sflag:s5] =	ssyncset.done $0x0  }
0x11b: {  	[sflag:s5] =	ssyncadd.s32 $0xFFFFD800  }
0x11c: {  	_ =	swait.ge [sflag:s5], $0x2800  }
0x11d: {  	[sflag:s5] =	ssyncset.done $0x0  }
0x11e: {  	[sflag:s5] =	ssyncadd.s32 $0xFFFFD800  }
0x11f: {  	_ =	swait.ge [sflag:s5], $0x2800  }
0x120: {  	[sflag:s5] =	ssyncset.done $0x0  }
0x121: {  	[sflag:s5] =	ssyncadd.s32 $0xFFFFD800  }
0x122: {  	_ =	swait.ge [sflag:s5], $0x2800  }
0x123: {  	[sflag:s5] =	ssyncset.done $0x0  }
0x124: {  	[sflag:s5] =	ssyncadd.s32 $0xFFFFD800  }
0x125: {  	_ =	swait.ge [sflag:s5], $0x2800  }
0x126: {  	[sflag:s5] =	ssyncset.done $0x0  }
0x127: {  	[sflag:s5] =	ssyncadd.s32 $0xFFFFD800  }
0x128: {  	_ =	swait.ge [sflag:s5], $0x2800  }
0x129: {  	[sflag:s5] =	ssyncset.done $0x0  }
0x12a: {  	[sflag:s5] =	ssyncadd.s32 $0xFFFFD800  }
0x12b: {  	_ =	swait.ge [sflag:s5], $0x2800  }
0x12c: {  	[sflag:s5] =	ssyncset.done $0x0  }
0x12d: {  	s29 =	rddreg [dreg:$0x3];
	[sflag:s5] =	ssyncadd.s32 $0xFFFFD800  }
0x12e: {  	[hbm4b:s29+s2] =	stream.linear.scatter [tilespmem:s4], [sflag:$0x2], $0x19000, $0x38;
	[tilespmem:$0x19680] =	vst v63  }
0x12f: {  	_ =	swait.ge [sflag:s3], $0x19000  }
0x130: {  	[sflag:s3] =	ssyncset.done $0x0  }
0x131: {  	[sflag:s3] =	ssyncadd.s32 $0xFFFE7000  }
0x132: {  	[tilespmem:s4], [sflag:$0x1] =	stream.indirect.gather [hbm4b:s6+s7], $0x80, s18, s7, $0xb8;
	[tilespmem:$0x19680] =	vst v63  }
0x133: {  	_ = 	snop  }
0x134: {  	[tilespmem:s8], [sflag:$0x1] =	stream.indirect.gather [hbm4b:s6+s7], $0x80, s19, s7, $0xb8;
	[tilespmem:$0x19680] =	vst v63  }
0x135: {  	_ = 	snop  }
0x136: {  	[tilespmem:s9], [sflag:$0x1] =	stream.indirect.gather [hbm4b:s6+s7], $0x80, s20, s7, $0xb8;
	[tilespmem:$0x19680] =	vst v63  }
0x137: {  	_ = 	snop  }
0x138: {  	[tilespmem:s10], [sflag:$0x1] =	stream.indirect.gather [hbm4b:s6+s7], $0x80, s21, s7, $0xb8;
	[tilespmem:$0x19680] =	vst v63  }
0x139: {  	_ = 	snop  }
0x13a: {  	[tilespmem:s11], [sflag:$0x1] =	stream.indirect.gather [hbm4b:s6+s7], $0x80, s22, s7, $0xb8;
	[tilespmem:$0x19680] =	vst v63  }
0x13b: {  	_ = 	snop  }
0x13c: {  	[tilespmem:s12], [sflag:$0x1] =	stream.indirect.gather [hbm4b:s6+s7], $0x80, s23, s7, $0xb8;
	[tilespmem:$0x19680] =	vst v63  }
0x13d: {  	_ = 	snop  }
0x13e: {  	[tilespmem:s13], [sflag:$0x1] =	stream.indirect.gather [hbm4b:s6+s7], $0x80, s24, s7, $0xb8;
	[tilespmem:$0x19680] =	vst v63  }
0x13f: {  	_ = 	snop  }
0x140: {  	[tilespmem:s14], [sflag:$0x1] =	stream.indirect.gather [hbm4b:s6+s7], $0x80, s25, s7, $0xb8;
	[tilespmem:$0x19680] =	vst v63  }
0x141: {  	_ = 	snop  }
0x142: {  	[tilespmem:s15], [sflag:$0x1] =	stream.indirect.gather [hbm4b:s6+s7], $0x80, s26, s7, $0xb8;
	[tilespmem:$0x19680] =	vst v63  }
0x143: {  	s30 =	simm.s32 $0x5F0  }
0x144: {  	[tilespmem:s16], [sflag:$0x1] =	stream.indirect.gather [hbm4b:s6+s7], $0x80, s30, s7, $0xb8;
	[tilespmem:$0x19680] =	vst v63  }
0x145: {  	_ =	swait.ge [sflag:s5], $0x2800  }
0x146: {  	[sflag:s5] =	ssyncset.done $0x0  }
0x147: {  	[sflag:s5] =	ssyncadd.s32 $0xFFFFD800  }
0x148: {  	_ =	swait.ge [sflag:s5], $0x2800  }
0x149: {  	[sflag:s5] =	ssyncset.done $0x0  }
0x14a: {  	[sflag:s5] =	ssyncadd.s32 $0xFFFFD800  }
0x14b: {  	_ =	swait.ge [sflag:s5], $0x2800  }
0x14c: {  	[sflag:s5] =	ssyncset.done $0x0  }
0x14d: {  	[sflag:s5] =	ssyncadd.s32 $0xFFFFD800  }
0x14e: {  	_ =	swait.ge [sflag:s5], $0x2800  }
0x14f: {  	[sflag:s5] =	ssyncset.done $0x0  }
0x150: {  	[sflag:s5] =	ssyncadd.s32 $0xFFFFD800  }
0x151: {  	_ =	swait.ge [sflag:s5], $0x2800  }
0x152: {  	[sflag:s5] =	ssyncset.done $0x0  }
0x153: {  	[sflag:s5] =	ssyncadd.s32 $0xFFFFD800  }
0x154: {  	_ =	swait.ge [sflag:s5], $0x2800  }
0x155: {  	[sflag:s5] =	ssyncset.done $0x0  }
0x156: {  	[sflag:s5] =	ssyncadd.s32 $0xFFFFD800  }
0x157: {  	_ =	swait.ge [sflag:s5], $0x2800  }
0x158: {  	[sflag:s5] =	ssyncset.done $0x0  }
0x159: {  	[sflag:s5] =	ssyncadd.s32 $0xFFFFD800  }
0x15a: {  	_ =	swait.ge [sflag:s5], $0x2800  }
0x15b: {  	[sflag:s5] =	ssyncset.done $0x0  }
0x15c: {  	[sflag:s5] =	ssyncadd.s32 $0xFFFFD800  }
0x15d: {  	_ =	swait.ge [sflag:s5], $0x2800  }
0x15e: {  	[sflag:s5] =	ssyncset.done $0x0  }
0x15f: {  	[sflag:s5] =	ssyncadd.s32 $0xFFFFD800  }
0x160: {  	_ =	swait.ge [sflag:s5], $0x2800  }
0x161: {  	[sflag:s5] =	ssyncset.done $0x0  }
0x162: {  	s31 =	rddreg [dreg:$0x4];
	[sflag:s5] =	ssyncadd.s32 $0xFFFFD800  }
0x163: {  	[hbm4b:s31+s2] =	stream.linear.scatter [tilespmem:s4], [sflag:$0x2], $0x19000, $0x38;
	[tilespmem:$0x19680] =	vst v63  }
0x164: {  	_ =	swait.ge [sflag:s3], $0x19000  }
0x165: {  	[sflag:s3] =	ssyncset.done $0x0  }
0x166: {  	[sflag:s3] =	ssyncadd.s32 $0xFFFE7000  }
0x167: {  	_ =	sfence.sel $0x180000  }
0x168: {  	[bflag:$0x0] =	sbarrier.arrive $0xFFFF  }
0x169: {  	_ =	strace $0x9000004A  }
0x16a: {  	[bflag:$0x2] =	sbarrier.arrive $0xFFFF  }
0x16b: {  	p0 =	sne.s32 s17, $0x0;
	s0 =	rddreg [dreg:$0x1]  }
0x16c: {  	s0 =	sadd.s32 @!p0 $0x100000, s0  }
0x16d: {  	[sflag:s0] =	ssyncadd.tile.s32 @!p0 $0x1;
	_ =	shalt  }
.LBB2_1:
.Ltmp3:
0x16e: {  	s28 =	simm.s32 $0x2D0;
	(pc) =	sbr.rel .LBB2_6-.Ltmp3, $4  }
0x16f: {  	s31 =	simm.s32 $0x280;
	s30 =	simm.s32 $0x230;
	s29 =	simm.s32 $0x1E0  }
0x170: {  	s26 =	simm.s32 $0x5A0;
	s25 =	simm.s32 $0x550;
	s24 =	simm.s32 $0x500  }
0x171: {  	s23 =	simm.s32 $0x4B0;
	s22 =	simm.s32 $0x460;
	s21 =	simm.s32 $0x410  }
0x172: {  	s20 =	simm.s32 $0x3C0;
	s19 =	simm.s32 $0x370;
	s18 =	simm.s32 $0x320  }
.LBB2_3:
.Ltmp4:
0x173: {  	s28 =	simm.s32 $0x2D0;
	s31 =	simm.s32 $0x280;
	(pc) =	sbr.rel .LBB2_6-.Ltmp4, $4  }
0x174: {  	s30 =	simm.s32 $0x230;
	s29 =	simm.s32 $0x1E0;
	s26 =	simm.s32 $0x5A0  }
0x175: {  	s25 =	simm.s32 $0x550;
	s24 =	simm.s32 $0x500;
	s23 =	simm.s32 $0x4B0  }
0x176: {  	s22 =	simm.s32 $0x460;
	s21 =	simm.s32 $0x410;
	s20 =	simm.s32 $0x3C0  }
0x177: {  	s19 =	simm.s32 $0x370;
	s18 =	simm.s32 $0x320;
	s17 =	stileid.u32  }
.Lfunc_end2:
_tile_overlayer_lowered:
.L_overlay_start_2:
0x178: {  	(tag) =	ssettag $0x2  }
0x179: {  	s0 =	rddreg [dreg:$0x0];
	s2 =	stileid.u32  }
0x17a: {  	s1 =	rddreg [dreg:$0x1];
	p0 =	sne.s32 s2, $0x0  }
0x17b: {  	s3 =	rddreg [dreg:$0x2];
	[bflag:$0x3] =	sbarrier.arrive $0xFFFF;
	s2 =	simm.s32 @!p0 $0x1C02  }
0x17c: {  	[timem:s3], [sflag:s2] =	dma.local @!p0 [hbm:s0], s1  }
0x17d: {  	s0 =	simm.s32 @!p0 $0x2  }
0x17e: {  	_ =	swait.ge @!p0 [sflag:s0], s1  }
0x17f: {  	s1 =	ssub.s32 @!p0 $0x0, s1;
	[sflag:s0] =	ssyncset.done @!p0 $0x0  }
0x180: {  	[sflag:s0] =	ssyncadd.s32 @!p0 s1  }
0x181: {  	[bflag:$0x3] =	sbarrier.arrive $0xFFFF  }
0x182: {  	_ =	shalt  }

</sc_bundles>
